<compile_context>
chip_gen: v7x
topology: tpu7x:2x2x1
jax: 0.10.2.dev20260603
libtpu: 0.0.44.dev20260713+nightly
codegen_flags: <defaults>
</compile_context>

<pallas_src>
import functools

import jax
import jax.numpy as jnp
from jax import lax
from jax.experimental import pallas as pl
from jax.experimental.pallas import tpu as pltpu
from jax.experimental.pallas import tpu_sc as plsc

N_NODES = 10000
N_EDGES = 320000
D_IN = 128
D_HID = 128
N_CLASSES = 40

N_PAD = 10240
NW = 32
EDGES_PER_TILE = N_EDGES // NW
CHUNK = 80
N_CHUNKS = EDGES_PER_TILE // CHUNK
ROWS_PER_SUB = N_PAD // 16


def _make_seg_sum(with_deg):
    d = D_HID
    mesh = plsc.VectorSubcoreMesh(core_axis_name="c", subcore_axis_name="s")

    out_type = [
        jax.ShapeDtypeStruct((N_PAD, d), jnp.float32),
        jax.ShapeDtypeStruct((N_PAD, d), jnp.float32),
    ]
    scratch = [
        pltpu.VMEM((2, CHUNK), jnp.int32),
        pltpu.VMEM((2, CHUNK), jnp.int32),
        pltpu.VMEM((2, CHUNK), jnp.int32),
        pltpu.VMEM((CHUNK, d), jnp.float32),
        pltpu.VMEM((CHUNK, d), jnp.float32),
        pltpu.VMEM((CHUNK, d), jnp.float32),
        pltpu.VMEM_SHARED((N_PAD, d), jnp.float32),
    ] + [pltpu.SemaphoreType.DMA] * 6
    if with_deg:
        out_type.append(jax.ShapeDtypeStruct((NW, N_PAD), jnp.float32))
        scratch.append(pltpu.VMEM((N_PAD,), jnp.float32))

    @functools.partial(
        pl.kernel, mesh=mesh, out_type=out_type, scratch_types=scratch,
        compiler_params=pltpu.CompilerParams(needs_layout_passes=False))
    def seg_sum(x_hbm, edges_hbm, zrow_hbm, zdeg_hbm, out0_hbm, out1_hbm,
                *rest):
        if with_deg:
            (outd_hbm, eb0, eb1, eb2, rows0, rows1, rows2, acc,
             se0, se1, se2, sg0, sg1, sg2, deg_v) = rest
        else:
            (eb0, eb1, eb2, rows0, rows1, rows2, acc,
             se0, se1, se2, sg0, sg1, sg2) = rest
        EB = [eb0, eb1, eb2]
        ROWS = [rows0, rows1, rows2]
        SE = [se0, se1, se2]
        SG = [sg0, sg1, sg2]
        c = lax.axis_index("c")
        s = lax.axis_index("s")
        wid = c * 16 + s
        row0 = s * ROWS_PER_SUB
        ones = jnp.full((16,), 1.0, jnp.float32)

        pltpu.sync_copy(zrow_hbm, acc.at[pl.ds(row0, ROWS_PER_SUB)])
        if with_deg:
            pltpu.sync_copy(zdeg_hbm, deg_v)
        plsc.subcore_barrier()

        pltpu.sync_copy(edges_hbm.at[wid, 0], eb0)
        pltpu.async_copy(x_hbm.at[eb0.at[0]], rows0, sg0)
        pltpu.async_copy(edges_hbm.at[wid, 1], eb1, se1)

        def step(j, p):
            q = (p + 1) % 3
            r = (p + 2) % 3

            @pl.when(j + 1 < N_CHUNKS)
            def _():
                pltpu.make_async_copy(edges_hbm.at[wid, j + 1], EB[q],
                                      SE[q]).wait()
                pltpu.async_copy(x_hbm.at[EB[q].at[0]], ROWS[q], SG[q])

            pltpu.make_async_copy(x_hbm.at[EB[p].at[0]], ROWS[p],
                                  SG[p]).wait()
            pltpu.sync_copy(ROWS[p], acc.at[EB[p].at[1]], add=True)

            if with_deg:
                for k in range(CHUNK // 16):
                    idx = EB[p][1, pl.ds(k * 16, 16)]
                    plsc.addupdate_scatter(deg_v, [idx], ones)

            @pl.when(j + 2 < N_CHUNKS)
            def _():
                pltpu.async_copy(edges_hbm.at[wid, j + 2], EB[r], SE[r])

        def body(j, carry):
            for p in range(3):
                @pl.when(lax.rem(j, 3) == p)
                def _(p=p):
                    step(j, p)

            return carry

        lax.fori_loop(0, N_CHUNKS, body, 0)
        if with_deg:
            pltpu.sync_copy(deg_v, outd_hbm.at[wid])
        plsc.subcore_barrier()

        @pl.when(c == 0)
        def _():
            pltpu.sync_copy(acc.at[pl.ds(row0, ROWS_PER_SUB)],
                            out0_hbm.at[pl.ds(row0, ROWS_PER_SUB)])

        @pl.when(c == 1)
        def _():
            pltpu.sync_copy(acc.at[pl.ds(row0, ROWS_PER_SUB)],
                            out1_hbm.at[pl.ds(row0, ROWS_PER_SUB)])

    return seg_sum


_seg_sum_l1 = _make_seg_sum(with_deg=True)
_seg_sum_l2 = _make_seg_sum(with_deg=False)

_B = 1024


def _tc1_body(p0, p1, degp, xp, w0l, w0r, b0, h1_out, inv_out):
    s = p0[...] + p1[...]
    deg = lax.dot_general(degp[...], jnp.ones((NW, 1), jnp.float32),
                          (((0,), (0,)), ((), ())),
                          preferred_element_type=jnp.float32)
    inv = 1.0 / jnp.maximum(deg, 1.0)
    mean = s * inv
    h = lax.dot_general(mean, w0l[...], (((1,), (1,)), ((), ())),
                        preferred_element_type=jnp.float32)
    h += lax.dot_general(xp[...], w0r[...], (((1,), (1,)), ((), ())),
                         preferred_element_type=jnp.float32)
    h += b0[0:1, :]
    h1_out[...] = jnp.maximum(h, 0.0)
    inv_out[...] = inv


def _tc2_body(q0, q1, inv, h1, w1l, w1r, b1, wlin, blin, out):
    mean = (q0[...] + q1[...]) * inv[...]
    h = lax.dot_general(mean, w1l[...], (((1,), (1,)), ((), ())),
                        preferred_element_type=jnp.float32)
    h += lax.dot_general(h1[...], w1r[...], (((1,), (1,)), ((), ())),
                         preferred_element_type=jnp.float32)
    h += b1[0:1, :]
    h2 = jnp.maximum(h, 0.0)
    z = lax.dot_general(h2, wlin[...], (((1,), (1,)), ((), ())),
                        preferred_element_type=jnp.float32)
    z += blin[0:1, :]
    cols = lax.broadcasted_iota(jnp.int32, z.shape, 1)
    z = jnp.where(cols < N_CLASSES, z, jnp.float32(-1e30))
    m = jnp.max(z, axis=1, keepdims=True)
    lse = jnp.log(jnp.sum(jnp.exp(z - m), axis=1, keepdims=True)) + m
    out[...] = z - lse


def _row_spec(w):
    return pl.BlockSpec((_B, w), lambda i: (i, 0))


def _full_spec(r, w):
    return pl.BlockSpec((r, w), lambda i: (0, 0))


def kernel(x, adj, W0l, b0, W0r, W1l, b1, W1r, Wlin, blin):
    f32 = jnp.float32
    edges = jnp.stack(
        [adj[0].reshape(NW, N_CHUNKS, CHUNK).astype(jnp.int32),
         adj[1].reshape(NW, N_CHUNKS, CHUNK).astype(jnp.int32)], axis=2)

    xp = jnp.zeros((N_PAD, D_IN), f32).at[:N_NODES].set(x.astype(f32))
    zrow = jnp.zeros((ROWS_PER_SUB, D_HID), f32)
    zdeg = jnp.zeros((N_PAD,), f32)

    b0b = jnp.broadcast_to(b0.astype(f32)[None, :], (8, D_HID))
    b1b = jnp.broadcast_to(b1.astype(f32)[None, :], (8, D_HID))
    wlin_p = jnp.zeros((D_HID, D_HID), f32).at[:N_CLASSES, :].set(Wlin.astype(f32))
    blin_p = jnp.zeros((D_HID,), f32).at[:N_CLASSES].set(blin.astype(f32))
    blin_b = jnp.broadcast_to(blin_p[None, :], (8, D_HID))

    p0, p1, degp = _seg_sum_l1(xp, edges, zrow, zdeg)

    h1, inv_deg = pl.pallas_call(
        _tc1_body,
        grid=(N_PAD // _B,),
        in_specs=[
            _row_spec(D_HID),
            _row_spec(D_HID),
            pl.BlockSpec((NW, _B), lambda i: (0, i)),
            _row_spec(D_IN),
            _full_spec(D_HID, D_IN),
            _full_spec(D_HID, D_IN),
            _full_spec(8, D_HID),
        ],
        out_specs=[_row_spec(D_HID), _row_spec(1)],
        out_shape=[
            jax.ShapeDtypeStruct((N_PAD, D_HID), f32),
            jax.ShapeDtypeStruct((N_PAD, 1), f32),
        ],
    )(p0, p1, degp, xp, W0l.astype(f32), W0r.astype(f32), b0b)

    q0, q1 = _seg_sum_l2(h1, edges, zrow, zdeg)

    out_full = pl.pallas_call(
        _tc2_body,
        grid=(N_PAD // _B,),
        in_specs=[
            _row_spec(D_HID),
            _row_spec(D_HID),
            _row_spec(1),
            _row_spec(D_HID),
            _full_spec(D_HID, D_HID),
            _full_spec(D_HID, D_HID),
            _full_spec(8, D_HID),
            _full_spec(D_HID, D_HID),
            _full_spec(8, D_HID),
        ],
        out_specs=pl.BlockSpec((_B, D_HID), lambda i: (i, 0)),
        out_shape=jax.ShapeDtypeStruct((N_PAD, D_HID), f32),
    )(q0, q1, inv_deg, h1, W1l.astype(f32), W1r.astype(f32), b1b, wlin_p,
      blin_b)

    return out_full[:N_NODES, :N_CLASSES]

# --- scband reference (transcript-rebuilt; emitter-appended) ---
"""Pipeline reference for scband-mixup-31490700214323 (READ-ONLY COPY).

The authoritative reference and input builder live on the scoring server;
editing this copy changes nothing except your own understanding.
"""

import jax, jax.numpy as jnp
import numpy as np

N_NODES = 10000
N_EDGES = 320000
D_IN = 128
D_HID = 128
N_CLASSES = 40
N_LAYERS = 2


def _sage_conv(x_src, x_dst, src, dst, Wl, bl, Wr, n_nodes):
    # PyG SAGEConv (mean aggregation): out = lin_l(mean_{j in N(i)} x_src[j]) + lin_r(x_dst[i])
    msg = x_src[src]
    summed = jax.ops.segment_sum(msg, dst, num_segments=n_nodes)
    cnt = jax.ops.segment_sum(jnp.ones((src.shape[0],), dtype=x_src.dtype), dst, num_segments=n_nodes)
    mean = summed / jnp.clip(cnt, 1.0)[:, None]
    return mean @ Wl.T + bl + x_dst @ Wr.T


def setup_inputs(seed: int = 0) -> dict:
    key = jax.random.key(seed)
    ks = jax.random.split(key, 10)
    x = jax.random.normal(ks[0], (N_NODES, D_IN), dtype=jnp.float32)
    adj = jax.random.randint(ks[1], (2, N_EDGES), 0, N_NODES, dtype=jnp.int64) if jax.config.read('jax_enable_x64') else jax.random.randint(ks[1], (2, N_EDGES), 0, N_NODES).astype(jnp.int32)
    s = 0.1
    W0l = s * jax.random.normal(ks[2], (D_HID, D_IN), dtype=jnp.float32)
    b0 = jnp.zeros((D_HID,), dtype=jnp.float32)
    W0r = s * jax.random.normal(ks[3], (D_HID, D_IN), dtype=jnp.float32)
    W1l = s * jax.random.normal(ks[4], (D_HID, D_HID), dtype=jnp.float32)
    b1 = jnp.zeros((D_HID,), dtype=jnp.float32)
    W1r = s * jax.random.normal(ks[5], (D_HID, D_HID), dtype=jnp.float32)
    Wlin = s * jax.random.normal(ks[6], (N_CLASSES, D_HID), dtype=jnp.float32)
    blin = jnp.zeros((N_CLASSES,), dtype=jnp.float32)
    return {"x": x, "adj": adj, "W0l": W0l, "b0": b0, "W0r": W0r, "W1l": W1l, "b1": b1, "W1r": W1r, "Wlin": Wlin, "blin": blin}


def reference(x, adj, W0l, b0, W0r, W1l, b1, W1r, Wlin, blin):
    # Mixup.forward(x, adj): output = nc_net(x, adj, adj, mix_ratio=1, id_old_value_new=arange(N))
    src = adj[0]
    dst = adj[1]
    n = x.shape[0]
    mix_ratio = 1.0
    gcs = [(W0l, b0, W0r), (W1l, b1, W1r)]
    aggr_xs = [x]
    for i in range(N_LAYERS - 1):
        Wl, bl, Wr = gcs[i]
        h = _sage_conv(aggr_xs[-1], aggr_xs[-1], src, dst, Wl, bl, Wr, n)
        h = jax.nn.relu(h)
        # dropout with p=0.0 is identity
        aggr_xs.append(h)
    id_old_value_new = jnp.arange(n)
    aggr_xs_b = [a[id_old_value_new] for a in aggr_xs]
    x_mix = aggr_xs[0] * mix_ratio + aggr_xs_b[0] * (1.0 - mix_ratio)
    for i in range(N_LAYERS):
        Wl, bl, Wr = gcs[i]
        x_new = jax.nn.relu(_sage_conv(aggr_xs[i], x_mix, src, dst, Wl, bl, Wr, n))
        # adj_b == adj in forward()
        x_new_b = jax.nn.relu(_sage_conv(aggr_xs_b[i], x_mix, src, dst, Wl, bl, Wr, n))
        x_mix = x_new * mix_ratio + x_new_b * (1.0 - mix_ratio)
    out = x_mix @ Wlin.T + blin
    return jax.nn.log_softmax(out, axis=-1)

if __name__ == "__main__":
    import jax
    _d = setup_inputs()
    print(jax.jit(kernel)(*tuple(_d.values())))

</pallas_src>

<mosaic_0001>
#map = affine_map<(d0, d1) -> (0, 0)>
#map1 = affine_map<(d0, d1) -> (0, 0, 0, 0)>
#map2 = affine_map<(d0, d1) -> (0)>
module attributes {stable_mosaic.version = 14 : i64} {
  func.func @seg_sum(%arg0: i32, %arg1: i32, %arg2: memref<10240x128xf32, #tpu.memory_space<hbm>>, %arg3: memref<32x125x2x80xi32, #tpu.memory_space<hbm>>, %arg4: memref<640x128xf32, #tpu.memory_space<hbm>>, %arg5: memref<10240xf32, #tpu.memory_space<hbm>>, %arg6: memref<10240x128xf32, #tpu.memory_space<hbm>>, %arg7: memref<10240x128xf32, #tpu.memory_space<hbm>>, %arg8: memref<2x80xi32, #tpu.memory_space<vmem>>, %arg9: memref<2x80xi32, #tpu.memory_space<vmem>>, %arg10: memref<2x80xi32, #tpu.memory_space<vmem>>, %arg11: memref<80x128xf32, #tpu.memory_space<vmem>>, %arg12: memref<80x128xf32, #tpu.memory_space<vmem>>, %arg13: memref<80x128xf32, #tpu.memory_space<vmem>>, %arg14: memref<10240x128xf32, #tpu.memory_space<vmem_shared>>, %arg15: memref<!tpu.dma_semaphore, #tpu.memory_space<semaphore_mem>>, %arg16: memref<!tpu.dma_semaphore, #tpu.memory_space<semaphore_mem>>, %arg17: memref<!tpu.dma_semaphore, #tpu.memory_space<semaphore_mem>>, %arg18: memref<!tpu.dma_semaphore, #tpu.memory_space<semaphore_mem>>, %arg19: memref<!tpu.dma_semaphore, #tpu.memory_space<semaphore_mem>>, %arg20: memref<!tpu.dma_semaphore, #tpu.memory_space<semaphore_mem>>) attributes {dimension_semantics = [#tpu.dimension_semantics<core_parallel>, #tpu.dimension_semantics<subcore_parallel>], iteration_bounds = array<i64: 2, 16>, scalar_prefetch = 0 : i64, scratch_operands = 13 : i64, tpu.core_type = #tpu.core_type<sc_vector_subcore>, window_params = [{transform_indices = #map}, {transform_indices = #map1}, {transform_indices = #map}, {transform_indices = #map2}, {transform_indices = #map}, {transform_indices = #map}]} {
    %mul3A = arith.constant 16 : i32
    %mul3A_0 = arith.muli %arg0, %mul3A : i32
    %add3A = arith.addi %mul3A_0, %arg1 : i32
    %mul3A_1 = arith.constant 640 : i32
    %mul3A_2 = arith.muli %arg1, %mul3A_1 : i32
    %broadcast_in_dim3A = arith.constant 1.000000e+00 : f32
    %broadcast_in_dim3A_3 = vector.broadcast %broadcast_in_dim3A : f32 to vector<16xf32>
    "tpu.region"() ({
      %run_scoped3A_32 = tpu.sem_alloc : memref<!tpu.dma_semaphore, #tpu.memory_space<semaphore_mem>>
      %dma_start3A_33 = arith.constant 0 : i32
      %dma_start3A_34 = tpu.memref_slice %arg14[%mul3A_2, %dma_start3A_33] : memref<10240x128xf32, #tpu.memory_space<vmem_shared>> -> memref<640x128xf32, #tpu.memory_space<vmem_shared>>
      tpu.enqueue_dma source(%arg4 : memref<640x128xf32, #tpu.memory_space<hbm>>) target(%dma_start3A_34 : memref<640x128xf32, #tpu.memory_space<vmem_shared>>) target_semaphore(%run_scoped3A_32 : memref<!tpu.dma_semaphore, #tpu.memory_space<semaphore_mem>>)
      %dma_wait3A = arith.constant 0 : i32
      %dma_wait3A_35 = tpu.memref_slice %arg14[%mul3A_2, %dma_wait3A] : memref<10240x128xf32, #tpu.memory_space<vmem_shared>> -> memref<640x128xf32, #tpu.memory_space<vmem_shared>>
      tpu.wait_dma2 semaphore(%run_scoped3A_32 : memref<!tpu.dma_semaphore, #tpu.memory_space<semaphore_mem>>) src(%arg4 : memref<640x128xf32, #tpu.memory_space<hbm>>) dst(%dma_wait3A_35 : memref<640x128xf32, #tpu.memory_space<vmem_shared>>)
      tpu.yield
    }) : () -> ()
    %barrier3A = arith.constant 0 : index
    tpu.barrier barrier_id(%barrier3A)
    %run_scoped3A = arith.constant 0 : i32
    "tpu.region"() ({
      %run_scoped3A_32 = tpu.sem_alloc : memref<!tpu.dma_semaphore, #tpu.memory_space<semaphore_mem>>
      %dma_start3A_33 = arith.constant 0 : i32
      %dma_start3A_34 = arith.constant 0 : i32
      %dma_start3A_35 = tpu.memref_slice %arg3[%add3A, %run_scoped3A, %dma_start3A_33, %dma_start3A_34] : memref<32x125x2x80xi32, #tpu.memory_space<hbm>> -> memref<1x1x2x80xi32, #tpu.memory_space<hbm>>
      %dma_start3A_36 = tpu.memref_squeeze %dma_start3A_35 : memref<1x1x2x80xi32, #tpu.memory_space<hbm>> -> memref<2x80xi32, #tpu.memory_space<hbm>>
      %dma_start3A_37 = arith.constant 0 : i32
      %dma_start3A_38 = arith.constant 0 : i32
      %dma_start3A_39 = tpu.memref_slice %arg3[%add3A, %run_scoped3A, %dma_start3A_37, %dma_start3A_38] : memref<32x125x2x80xi32, #tpu.memory_space<hbm>> -> memref<1x1x2x80xi32, #tpu.memory_space<hbm>>
      %dma_start3A_40 = tpu.memref_squeeze %dma_start3A_39 : memref<1x1x2x80xi32, #tpu.memory_space<hbm>> -> memref<2x80xi32, #tpu.memory_space<hbm>>
      tpu.enqueue_dma source(%dma_start3A_40 : memref<2x80xi32, #tpu.memory_space<hbm>>) target(%arg8 : memref<2x80xi32, #tpu.memory_space<vmem>>) target_semaphore(%run_scoped3A_32 : memref<!tpu.dma_semaphore, #tpu.memory_space<semaphore_mem>>)
      %dma_wait3A = arith.constant 0 : i32
      %dma_wait3A_41 = arith.constant 0 : i32
      %dma_wait3A_42 = tpu.memref_slice %arg3[%add3A, %run_scoped3A, %dma_wait3A, %dma_wait3A_41] : memref<32x125x2x80xi32, #tpu.memory_space<hbm>> -> memref<1x1x2x80xi32, #tpu.memory_space<hbm>>
      %dma_wait3A_43 = tpu.memref_squeeze %dma_wait3A_42 : memref<1x1x2x80xi32, #tpu.memory_space<hbm>> -> memref<2x80xi32, #tpu.memory_space<hbm>>
      %dma_wait3A_44 = arith.constant 0 : i32
      %dma_wait3A_45 = arith.constant 0 : i32
      %dma_wait3A_46 = tpu.memref_slice %arg3[%add3A, %run_scoped3A, %dma_wait3A_44, %dma_wait3A_45] : memref<32x125x2x80xi32, #tpu.memory_space<hbm>> -> memref<1x1x2x80xi32, #tpu.memory_space<hbm>>
      %dma_wait3A_47 = tpu.memref_squeeze %dma_wait3A_46 : memref<1x1x2x80xi32, #tpu.memory_space<hbm>> -> memref<2x80xi32, #tpu.memory_space<hbm>>
      tpu.wait_dma2 semaphore(%run_scoped3A_32 : memref<!tpu.dma_semaphore, #tpu.memory_space<semaphore_mem>>) src(%dma_wait3A_47 : memref<2x80xi32, #tpu.memory_space<hbm>>) dst(%arg8 : memref<2x80xi32, #tpu.memory_space<vmem>>)
      tpu.yield
    }) : () -> ()
    %dma_start3A = arith.constant 0 : i32
    %dma_start3A_4 = arith.constant 0 : i32
    %dma_start3A_5 = tpu.memref_slice %arg8[%dma_start3A, %dma_start3A_4] : memref<2x80xi32, #tpu.memory_space<vmem>> -> memref<1x80xi32, #tpu.memory_space<vmem>>
    %dma_start3A_6 = tpu.memref_squeeze %dma_start3A_5 : memref<1x80xi32, #tpu.memory_space<vmem>> -> memref<80xi32, #tpu.memory_space<vmem>>
    %dma_start3A_7 = arith.constant 0 : i32
    %dma_start3A_8 = arith.constant 0 : i32
    %dma_start3A_9 = tpu.memref_slice %arg2[%dma_start3A_7, %dma_start3A_8] : memref<10240x128xf32, #tpu.memory_space<hbm>> -> memref<10240x128xf32, #tpu.memory_space<hbm>>
    tpu.enqueue_indirect_dma source(%dma_start3A_9 : memref<10240x128xf32, #tpu.memory_space<hbm>>) target(%arg11 : memref<80x128xf32, #tpu.memory_space<vmem>>) offsets(%dma_start3A_6 : memref<80xi32, #tpu.memory_space<vmem>>) semaphore(%arg18 : memref<!tpu.dma_semaphore, #tpu.memory_space<semaphore_mem>>)
    %dma_start3A_10 = arith.constant 1 : i32
    %dma_start3A_11 = arith.constant 0 : i32
    %dma_start3A_12 = arith.constant 0 : i32
    %dma_start3A_13 = tpu.memref_slice %arg3[%add3A, %dma_start3A_10, %dma_start3A_11, %dma_start3A_12] : memref<32x125x2x80xi32, #tpu.memory_space<hbm>> -> memref<1x1x2x80xi32, #tpu.memory_space<hbm>>
    %dma_start3A_14 = tpu.memref_squeeze %dma_start3A_13 : memref<1x1x2x80xi32, #tpu.memory_space<hbm>> -> memref<2x80xi32, #tpu.memory_space<hbm>>
    %dma_start3A_15 = arith.constant 0 : i32
    %dma_start3A_16 = arith.constant 0 : i32
    %dma_start3A_17 = tpu.memref_slice %arg3[%add3A, %dma_start3A_10, %dma_start3A_15, %dma_start3A_16] : memref<32x125x2x80xi32, #tpu.memory_space<hbm>> -> memref<1x1x2x80xi32, #tpu.memory_space<hbm>>
    %dma_start3A_18 = tpu.memref_squeeze %dma_start3A_17 : memref<1x1x2x80xi32, #tpu.memory_space<hbm>> -> memref<2x80xi32, #tpu.memory_space<hbm>>
    tpu.enqueue_dma source(%dma_start3A_18 : memref<2x80xi32, #tpu.memory_space<hbm>>) target(%arg9 : memref<2x80xi32, #tpu.memory_space<vmem>>) target_semaphore(%arg16 : memref<!tpu.dma_semaphore, #tpu.memory_space<semaphore_mem>>)
    %scan3A = arith.constant 0 : i32
    %scan3A_19 = arith.constant 0 : i32
    %scan3A_20 = arith.constant 125 : i32
    %scan3A_21 = arith.addi %scan3A_19, %scan3A_20 : i32
    %scan3A_22 = arith.constant 1 : i32
    scf.for %scan3A_32 = %scan3A_19 to %scan3A_21 step %scan3A_22  : i32 {
      %rem3A = arith.constant 3 : i32
      %rem3A_33 = arith.remsi %scan3A_32, %rem3A : i32
      %eq3A_34 = arith.constant 0 : i32
      %eq3A_35 = arith.cmpi eq, %rem3A_33, %eq3A_34 : i32
      %convert_element_type3A_36 = arith.extui %eq3A_35 : i1 to i32
      %cond3A_37 = arith.constant 0 : i32
      %cond3A_38 = arith.cmpi ne, %convert_element_type3A_36, %cond3A_37 : i32
      scf.if %cond3A_38 {
        %add3A_53 = arith.constant 1 : i32
        %add3A_54 = arith.addi %scan3A_32, %add3A_53 : i32
        %lt3A = arith.constant 125 : i32
        %lt3A_55 = arith.cmpi slt, %add3A_54, %lt3A : i32
        %convert_element_type3A_56 = arith.extui %lt3A_55 : i1 to i32
        %cond3A_57 = arith.constant 0 : i32
        %cond3A_58 = arith.cmpi ne, %convert_element_type3A_56, %cond3A_57 : i32
        scf.if %cond3A_58 {
          %add3A_73 = arith.constant 1 : i32
          %add3A_74 = arith.addi %scan3A_32, %add3A_73 : i32
          %dma_wait3A_75 = arith.constant 0 : i32
          %dma_wait3A_76 = arith.constant 0 : i32
          %dma_wait3A_77 = tpu.memref_slice %arg3[%add3A, %add3A_74, %dma_wait3A_75, %dma_wait3A_76] : memref<32x125x2x80xi32, #tpu.memory_space<hbm>> -> memref<1x1x2x80xi32, #tpu.memory_space<hbm>>
          %dma_wait3A_78 = tpu.memref_squeeze %dma_wait3A_77 : memref<1x1x2x80xi32, #tpu.memory_space<hbm>> -> memref<2x80xi32, #tpu.memory_space<hbm>>
          %dma_wait3A_79 = arith.constant 0 : i32
          %dma_wait3A_80 = arith.constant 0 : i32
          %dma_wait3A_81 = tpu.memref_slice %arg3[%add3A, %add3A_74, %dma_wait3A_79, %dma_wait3A_80] : memref<32x125x2x80xi32, #tpu.memory_space<hbm>> -> memref<1x1x2x80xi32, #tpu.memory_space<hbm>>
          %dma_wait3A_82 = tpu.memref_squeeze %dma_wait3A_81 : memref<1x1x2x80xi32, #tpu.memory_space<hbm>> -> memref<2x80xi32, #tpu.memory_space<hbm>>
          tpu.wait_dma2 semaphore(%arg16 : memref<!tpu.dma_semaphore, #tpu.memory_space<semaphore_mem>>) src(%dma_wait3A_82 : memref<2x80xi32, #tpu.memory_space<hbm>>) dst(%arg9 : memref<2x80xi32, #tpu.memory_space<vmem>>)
          %dma_start3A_83 = arith.constant 0 : i32
          %dma_start3A_84 = arith.constant 0 : i32
          %dma_start3A_85 = tpu.memref_slice %arg9[%dma_start3A_83, %dma_start3A_84] : memref<2x80xi32, #tpu.memory_space<vmem>> -> memref<1x80xi32, #tpu.memory_space<vmem>>
          %dma_start3A_86 = tpu.memref_squeeze %dma_start3A_85 : memref<1x80xi32, #tpu.memory_space<vmem>> -> memref<80xi32, #tpu.memory_space<vmem>>
          %dma_start3A_87 = arith.constant 0 : i32
          %dma_start3A_88 = arith.constant 0 : i32
          %dma_start3A_89 = tpu.memref_slice %arg2[%dma_start3A_87, %dma_start3A_88] : memref<10240x128xf32, #tpu.memory_space<hbm>> -> memref<10240x128xf32, #tpu.memory_space<hbm>>
          tpu.enqueue_indirect_dma source(%dma_start3A_89 : memref<10240x128xf32, #tpu.memory_space<hbm>>) target(%arg12 : memref<80x128xf32, #tpu.memory_space<vmem>>) offsets(%dma_start3A_86 : memref<80xi32, #tpu.memory_space<vmem>>) semaphore(%arg19 : memref<!tpu.dma_semaphore, #tpu.memory_space<semaphore_mem>>)
        } else {
        }
        %dma_wait3A = arith.constant 0 : i32
        %dma_wait3A_59 = arith.constant 0 : i32
        %dma_wait3A_60 = tpu.memref_slice %arg8[%dma_wait3A, %dma_wait3A_59] : memref<2x80xi32, #tpu.memory_space<vmem>> -> memref<1x80xi32, #tpu.memory_space<vmem>>
        %dma_wait3A_61 = tpu.memref_squeeze %dma_wait3A_60 : memref<1x80xi32, #tpu.memory_space<vmem>> -> memref<80xi32, #tpu.memory_space<vmem>>
        %dma_wait3A_62 = arith.constant 0 : i32
        %dma_wait3A_63 = arith.constant 0 : i32
        %dma_wait3A_64 = tpu.memref_slice %arg2[%dma_wait3A_62, %dma_wait3A_63] : memref<10240x128xf32, #tpu.memory_space<hbm>> -> memref<10240x128xf32, #tpu.memory_space<hbm>>
        tpu.wait_indirect_dma semaphore(%arg18 : memref<!tpu.dma_semaphore, #tpu.memory_space<semaphore_mem>>) src(%dma_wait3A_64 : memref<10240x128xf32, #tpu.memory_space<hbm>>) dst(%arg11 : memref<80x128xf32, #tpu.memory_space<vmem>>)
        %run_scoped3A_65 = arith.constant 1 : i32
        "tpu.region"() ({
          %run_scoped3A_73 = tpu.sem_alloc : memref<!tpu.dma_semaphore, #tpu.memory_space<semaphore_mem>>
          %dma_start3A_74 = arith.constant 0 : i32
          %dma_start3A_75 = tpu.memref_slice %arg8[%run_scoped3A_65, %dma_start3A_74] : memref<2x80xi32, #tpu.memory_space<vmem>> -> memref<1x80xi32, #tpu.memory_space<vmem>>
          %dma_start3A_76 = tpu.memref_squeeze %dma_start3A_75 : memref<1x80xi32, #tpu.memory_space<vmem>> -> memref<80xi32, #tpu.memory_space<vmem>>
          %dma_start3A_77 = arith.constant 0 : i32
          %dma_start3A_78 = arith.constant 0 : i32
          %dma_start3A_79 = tpu.memref_slice %arg14[%dma_start3A_77, %dma_start3A_78] : memref<10240x128xf32, #tpu.memory_space<vmem_shared>> -> memref<10240x128xf32, #tpu.memory_space<vmem_shared>>
          tpu.enqueue_indirect_dma source(%arg11 : memref<80x128xf32, #tpu.memory_space<vmem>>) target(%dma_start3A_79 : memref<10240x128xf32, #tpu.memory_space<vmem_shared>>) offsets(%dma_start3A_76 : memref<80xi32, #tpu.memory_space<vmem>>) semaphore(%run_scoped3A_73 : memref<!tpu.dma_semaphore, #tpu.memory_space<semaphore_mem>>) {add = true}
          %dma_wait3A_80 = arith.constant 0 : i32
          %dma_wait3A_81 = tpu.memref_slice %arg8[%run_scoped3A_65, %dma_wait3A_80] : memref<2x80xi32, #tpu.memory_space<vmem>> -> memref<1x80xi32, #tpu.memory_space<vmem>>
          %dma_wait3A_82 = tpu.memref_squeeze %dma_wait3A_81 : memref<1x80xi32, #tpu.memory_space<vmem>> -> memref<80xi32, #tpu.memory_space<vmem>>
          %dma_wait3A_83 = arith.constant 0 : i32
          %dma_wait3A_84 = arith.constant 0 : i32
          %dma_wait3A_85 = tpu.memref_slice %arg14[%dma_wait3A_83, %dma_wait3A_84] : memref<10240x128xf32, #tpu.memory_space<vmem_shared>> -> memref<10240x128xf32, #tpu.memory_space<vmem_shared>>
          tpu.wait_indirect_dma semaphore(%run_scoped3A_73 : memref<!tpu.dma_semaphore, #tpu.memory_space<semaphore_mem>>) src(%arg11 : memref<80x128xf32, #tpu.memory_space<vmem>>) dst(%dma_wait3A_85 : memref<10240x128xf32, #tpu.memory_space<vmem_shared>>)
          tpu.yield
        }) : () -> ()
        %add3A_66 = arith.constant 2 : i32
        %add3A_67 = arith.addi %scan3A_32, %add3A_66 : i32
        %lt3A_68 = arith.constant 125 : i32
        %lt3A_69 = arith.cmpi slt, %add3A_67, %lt3A_68 : i32
        %convert_element_type3A_70 = arith.extui %lt3A_69 : i1 to i32
        %cond3A_71 = arith.constant 0 : i32
        %cond3A_72 = arith.cmpi ne, %convert_element_type3A_70, %cond3A_71 : i32
        scf.if %cond3A_72 {
          %add3A_73 = arith.constant 2 : i32
          %add3A_74 = arith.addi %scan3A_32, %add3A_73 : i32
          %dma_start3A_75 = arith.constant 0 : i32
          %dma_start3A_76 = arith.constant 0 : i32
          %dma_start3A_77 = tpu.memref_slice %arg3[%add3A, %add3A_74, %dma_start3A_75, %dma_start3A_76] : memref<32x125x2x80xi32, #tpu.memory_space<hbm>> -> memref<1x1x2x80xi32, #tpu.memory_space<hbm>>
          %dma_start3A_78 = tpu.memref_squeeze %dma_start3A_77 : memref<1x1x2x80xi32, #tpu.memory_space<hbm>> -> memref<2x80xi32, #tpu.memory_space<hbm>>
          %dma_start3A_79 = arith.constant 0 : i32
          %dma_start3A_80 = arith.constant 0 : i32
          %dma_start3A_81 = tpu.memref_slice %arg3[%add3A, %add3A_74, %dma_start3A_79, %dma_start3A_80] : memref<32x125x2x80xi32, #tpu.memory_space<hbm>> -> memref<1x1x2x80xi32, #tpu.memory_space<hbm>>
          %dma_start3A_82 = tpu.memref_squeeze %dma_start3A_81 : memref<1x1x2x80xi32, #tpu.memory_space<hbm>> -> memref<2x80xi32, #tpu.memory_space<hbm>>
          tpu.enqueue_dma source(%dma_start3A_82 : memref<2x80xi32, #tpu.memory_space<hbm>>) target(%arg10 : memref<2x80xi32, #tpu.memory_space<vmem>>) target_semaphore(%arg17 : memref<!tpu.dma_semaphore, #tpu.memory_space<semaphore_mem>>)
        } else {
        }
      } else {
      }
      %rem3A_39 = arith.constant 3 : i32
      %rem3A_40 = arith.remsi %scan3A_32, %rem3A_39 : i32
      %eq3A_41 = arith.constant 1 : i32
      %eq3A_42 = arith.cmpi eq, %rem3A_40, %eq3A_41 : i32
      %convert_element_type3A_43 = arith.extui %eq3A_42 : i1 to i32
      %cond3A_44 = arith.constant 0 : i32
      %cond3A_45 = arith.cmpi ne, %convert_element_type3A_43, %cond3A_44 : i32
      scf.if %cond3A_45 {
        %add3A_53 = arith.constant 1 : i32
        %add3A_54 = arith.addi %scan3A_32, %add3A_53 : i32
        %lt3A = arith.constant 125 : i32
        %lt3A_55 = arith.cmpi slt, %add3A_54, %lt3A : i32
        %convert_element_type3A_56 = arith.extui %lt3A_55 : i1 to i32
        %cond3A_57 = arith.constant 0 : i32
        %cond3A_58 = arith.cmpi ne, %convert_element_type3A_56, %cond3A_57 : i32
        scf.if %cond3A_58 {
          %add3A_73 = arith.constant 1 : i32
          %add3A_74 = arith.addi %scan3A_32, %add3A_73 : i32
          %dma_wait3A_75 = arith.constant 0 : i32
          %dma_wait3A_76 = arith.constant 0 : i32
          %dma_wait3A_77 = tpu.memref_slice %arg3[%add3A, %add3A_74, %dma_wait3A_75, %dma_wait3A_76] : memref<32x125x2x80xi32, #tpu.memory_space<hbm>> -> memref<1x1x2x80xi32, #tpu.memory_space<hbm>>
          %dma_wait3A_78 = tpu.memref_squeeze %dma_wait3A_77 : memref<1x1x2x80xi32, #tpu.memory_space<hbm>> -> memref<2x80xi32, #tpu.memory_space<hbm>>
          %dma_wait3A_79 = arith.constant 0 : i32
          %dma_wait3A_80 = arith.constant 0 : i32
          %dma_wait3A_81 = tpu.memref_slice %arg3[%add3A, %add3A_74, %dma_wait3A_79, %dma_wait3A_80] : memref<32x125x2x80xi32, #tpu.memory_space<hbm>> -> memref<1x1x2x80xi32, #tpu.memory_space<hbm>>
          %dma_wait3A_82 = tpu.memref_squeeze %dma_wait3A_81 : memref<1x1x2x80xi32, #tpu.memory_space<hbm>> -> memref<2x80xi32, #tpu.memory_space<hbm>>
          tpu.wait_dma2 semaphore(%arg17 : memref<!tpu.dma_semaphore, #tpu.memory_space<semaphore_mem>>) src(%dma_wait3A_82 : memref<2x80xi32, #tpu.memory_space<hbm>>) dst(%arg10 : memref<2x80xi32, #tpu.memory_space<vmem>>)
          %dma_start3A_83 = arith.constant 0 : i32
          %dma_start3A_84 = arith.constant 0 : i32
          %dma_start3A_85 = tpu.memref_slice %arg10[%dma_start3A_83, %dma_start3A_84] : memref<2x80xi32, #tpu.memory_space<vmem>> -> memref<1x80xi32, #tpu.memory_space<vmem>>
          %dma_start3A_86 = tpu.memref_squeeze %dma_start3A_85 : memref<1x80xi32, #tpu.memory_space<vmem>> -> memref<80xi32, #tpu.memory_space<vmem>>
          %dma_start3A_87 = arith.constant 0 : i32
          %dma_start3A_88 = arith.constant 0 : i32
          %dma_start3A_89 = tpu.memref_slice %arg2[%dma_start3A_87, %dma_start3A_88] : memref<10240x128xf32, #tpu.memory_space<hbm>> -> memref<10240x128xf32, #tpu.memory_space<hbm>>
          tpu.enqueue_indirect_dma source(%dma_start3A_89 : memref<10240x128xf32, #tpu.memory_space<hbm>>) target(%arg13 : memref<80x128xf32, #tpu.memory_space<vmem>>) offsets(%dma_start3A_86 : memref<80xi32, #tpu.memory_space<vmem>>) semaphore(%arg20 : memref<!tpu.dma_semaphore, #tpu.memory_space<semaphore_mem>>)
        } else {
        }
        %dma_wait3A = arith.constant 0 : i32
        %dma_wait3A_59 = arith.constant 0 : i32
        %dma_wait3A_60 = tpu.memref_slice %arg9[%dma_wait3A, %dma_wait3A_59] : memref<2x80xi32, #tpu.memory_space<vmem>> -> memref<1x80xi32, #tpu.memory_space<vmem>>
        %dma_wait3A_61 = tpu.memref_squeeze %dma_wait3A_60 : memref<1x80xi32, #tpu.memory_space<vmem>> -> memref<80xi32, #tpu.memory_space<vmem>>
        %dma_wait3A_62 = arith.constant 0 : i32
        %dma_wait3A_63 = arith.constant 0 : i32
        %dma_wait3A_64 = tpu.memref_slice %arg2[%dma_wait3A_62, %dma_wait3A_63] : memref<10240x128xf32, #tpu.memory_space<hbm>> -> memref<10240x128xf32, #tpu.memory_space<hbm>>
        tpu.wait_indirect_dma semaphore(%arg19 : memref<!tpu.dma_semaphore, #tpu.memory_space<semaphore_mem>>) src(%dma_wait3A_64 : memref<10240x128xf32, #tpu.memory_space<hbm>>) dst(%arg12 : memref<80x128xf32, #tpu.memory_space<vmem>>)
        %run_scoped3A_65 = arith.constant 1 : i32
        "tpu.region"() ({
          %run_scoped3A_73 = tpu.sem_alloc : memref<!tpu.dma_semaphore, #tpu.memory_space<semaphore_mem>>
          %dma_start3A_74 = arith.constant 0 : i32
          %dma_start3A_75 = tpu.memref_slice %arg9[%run_scoped3A_65, %dma_start3A_74] : memref<2x80xi32, #tpu.memory_space<vmem>> -> memref<1x80xi32, #tpu.memory_space<vmem>>
          %dma_start3A_76 = tpu.memref_squeeze %dma_start3A_75 : memref<1x80xi32, #tpu.memory_space<vmem>> -> memref<80xi32, #tpu.memory_space<vmem>>
          %dma_start3A_77 = arith.constant 0 : i32
          %dma_start3A_78 = arith.constant 0 : i32
          %dma_start3A_79 = tpu.memref_slice %arg14[%dma_start3A_77, %dma_start3A_78] : memref<10240x128xf32, #tpu.memory_space<vmem_shared>> -> memref<10240x128xf32, #tpu.memory_space<vmem_shared>>
          tpu.enqueue_indirect_dma source(%arg12 : memref<80x128xf32, #tpu.memory_space<vmem>>) target(%dma_start3A_79 : memref<10240x128xf32, #tpu.memory_space<vmem_shared>>) offsets(%dma_start3A_76 : memref<80xi32, #tpu.memory_space<vmem>>) semaphore(%run_scoped3A_73 : memref<!tpu.dma_semaphore, #tpu.memory_space<semaphore_mem>>) {add = true}
          %dma_wait3A_80 = arith.constant 0 : i32
          %dma_wait3A_81 = tpu.memref_slice %arg9[%run_scoped3A_65, %dma_wait3A_80] : memref<2x80xi32, #tpu.memory_space<vmem>> -> memref<1x80xi32, #tpu.memory_space<vmem>>
          %dma_wait3A_82 = tpu.memref_squeeze %dma_wait3A_81 : memref<1x80xi32, #tpu.memory_space<vmem>> -> memref<80xi32, #tpu.memory_space<vmem>>
          %dma_wait3A_83 = arith.constant 0 : i32
          %dma_wait3A_84 = arith.constant 0 : i32
          %dma_wait3A_85 = tpu.memref_slice %arg14[%dma_wait3A_83, %dma_wait3A_84] : memref<10240x128xf32, #tpu.memory_space<vmem_shared>> -> memref<10240x128xf32, #tpu.memory_space<vmem_shared>>
          tpu.wait_indirect_dma semaphore(%run_scoped3A_73 : memref<!tpu.dma_semaphore, #tpu.memory_space<semaphore_mem>>) src(%arg12 : memref<80x128xf32, #tpu.memory_space<vmem>>) dst(%dma_wait3A_85 : memref<10240x128xf32, #tpu.memory_space<vmem_shared>>)
          tpu.yield
        }) : () -> ()
        %add3A_66 = arith.constant 2 : i32
        %add3A_67 = arith.addi %scan3A_32, %add3A_66 : i32
        %lt3A_68 = arith.constant 125 : i32
        %lt3A_69 = arith.cmpi slt, %add3A_67, %lt3A_68 : i32
        %convert_element_type3A_70 = arith.extui %lt3A_69 : i1 to i32
        %cond3A_71 = arith.constant 0 : i32
        %cond3A_72 = arith.cmpi ne, %convert_element_type3A_70, %cond3A_71 : i32
        scf.if %cond3A_72 {
          %add3A_73 = arith.constant 2 : i32
          %add3A_74 = arith.addi %scan3A_32, %add3A_73 : i32
          %dma_start3A_75 = arith.constant 0 : i32
          %dma_start3A_76 = arith.constant 0 : i32
          %dma_start3A_77 = tpu.memref_slice %arg3[%add3A, %add3A_74, %dma_start3A_75, %dma_start3A_76] : memref<32x125x2x80xi32, #tpu.memory_space<hbm>> -> memref<1x1x2x80xi32, #tpu.memory_space<hbm>>
          %dma_start3A_78 = tpu.memref_squeeze %dma_start3A_77 : memref<1x1x2x80xi32, #tpu.memory_space<hbm>> -> memref<2x80xi32, #tpu.memory_space<hbm>>
          %dma_start3A_79 = arith.constant 0 : i32
          %dma_start3A_80 = arith.constant 0 : i32
          %dma_start3A_81 = tpu.memref_slice %arg3[%add3A, %add3A_74, %dma_start3A_79, %dma_start3A_80] : memref<32x125x2x80xi32, #tpu.memory_space<hbm>> -> memref<1x1x2x80xi32, #tpu.memory_space<hbm>>
          %dma_start3A_82 = tpu.memref_squeeze %dma_start3A_81 : memref<1x1x2x80xi32, #tpu.memory_space<hbm>> -> memref<2x80xi32, #tpu.memory_space<hbm>>
          tpu.enqueue_dma source(%dma_start3A_82 : memref<2x80xi32, #tpu.memory_space<hbm>>) target(%arg8 : memref<2x80xi32, #tpu.memory_space<vmem>>) target_semaphore(%arg15 : memref<!tpu.dma_semaphore, #tpu.memory_space<semaphore_mem>>)
        } else {
        }
      } else {
      }
      %rem3A_46 = arith.constant 3 : i32
      %rem3A_47 = arith.remsi %scan3A_32, %rem3A_46 : i32
      %eq3A_48 = arith.constant 2 : i32
      %eq3A_49 = arith.cmpi eq, %rem3A_47, %eq3A_48 : i32
      %convert_element_type3A_50 = arith.extui %eq3A_49 : i1 to i32
      %cond3A_51 = arith.constant 0 : i32
      %cond3A_52 = arith.cmpi ne, %convert_element_type3A_50, %cond3A_51 : i32
      scf.if %cond3A_52 {
        %add3A_53 = arith.constant 1 : i32
        %add3A_54 = arith.addi %scan3A_32, %add3A_53 : i32
        %lt3A = arith.constant 125 : i32
        %lt3A_55 = arith.cmpi slt, %add3A_54, %lt3A : i32
        %convert_element_type3A_56 = arith.extui %lt3A_55 : i1 to i32
        %cond3A_57 = arith.constant 0 : i32
        %cond3A_58 = arith.cmpi ne, %convert_element_type3A_56, %cond3A_57 : i32
        scf.if %cond3A_58 {
          %add3A_73 = arith.constant 1 : i32
          %add3A_74 = arith.addi %scan3A_32, %add3A_73 : i32
          %dma_wait3A_75 = arith.constant 0 : i32
          %dma_wait3A_76 = arith.constant 0 : i32
          %dma_wait3A_77 = tpu.memref_slice %arg3[%add3A, %add3A_74, %dma_wait3A_75, %dma_wait3A_76] : memref<32x125x2x80xi32, #tpu.memory_space<hbm>> -> memref<1x1x2x80xi32, #tpu.memory_space<hbm>>
          %dma_wait3A_78 = tpu.memref_squeeze %dma_wait3A_77 : memref<1x1x2x80xi32, #tpu.memory_space<hbm>> -> memref<2x80xi32, #tpu.memory_space<hbm>>
          %dma_wait3A_79 = arith.constant 0 : i32
          %dma_wait3A_80 = arith.constant 0 : i32
          %dma_wait3A_81 = tpu.memref_slice %arg3[%add3A, %add3A_74, %dma_wait3A_79, %dma_wait3A_80] : memref<32x125x2x80xi32, #tpu.memory_space<hbm>> -> memref<1x1x2x80xi32, #tpu.memory_space<hbm>>
          %dma_wait3A_82 = tpu.memref_squeeze %dma_wait3A_81 : memref<1x1x2x80xi32, #tpu.memory_space<hbm>> -> memref<2x80xi32, #tpu.memory_space<hbm>>
          tpu.wait_dma2 semaphore(%arg15 : memref<!tpu.dma_semaphore, #tpu.memory_space<semaphore_mem>>) src(%dma_wait3A_82 : memref<2x80xi32, #tpu.memory_space<hbm>>) dst(%arg8 : memref<2x80xi32, #tpu.memory_space<vmem>>)
          %dma_start3A_83 = arith.constant 0 : i32
          %dma_start3A_84 = arith.constant 0 : i32
          %dma_start3A_85 = tpu.memref_slice %arg8[%dma_start3A_83, %dma_start3A_84] : memref<2x80xi32, #tpu.memory_space<vmem>> -> memref<1x80xi32, #tpu.memory_space<vmem>>
          %dma_start3A_86 = tpu.memref_squeeze %dma_start3A_85 : memref<1x80xi32, #tpu.memory_space<vmem>> -> memref<80xi32, #tpu.memory_space<vmem>>
          %dma_start3A_87 = arith.constant 0 : i32
          %dma_start3A_88 = arith.constant 0 : i32
          %dma_start3A_89 = tpu.memref_slice %arg2[%dma_start3A_87, %dma_start3A_88] : memref<10240x128xf32, #tpu.memory_space<hbm>> -> memref<10240x128xf32, #tpu.memory_space<hbm>>
          tpu.enqueue_indirect_dma source(%dma_start3A_89 : memref<10240x128xf32, #tpu.memory_space<hbm>>) target(%arg11 : memref<80x128xf32, #tpu.memory_space<vmem>>) offsets(%dma_start3A_86 : memref<80xi32, #tpu.memory_space<vmem>>) semaphore(%arg18 : memref<!tpu.dma_semaphore, #tpu.memory_space<semaphore_mem>>)
        } else {
        }
        %dma_wait3A = arith.constant 0 : i32
        %dma_wait3A_59 = arith.constant 0 : i32
        %dma_wait3A_60 = tpu.memref_slice %arg10[%dma_wait3A, %dma_wait3A_59] : memref<2x80xi32, #tpu.memory_space<vmem>> -> memref<1x80xi32, #tpu.memory_space<vmem>>
        %dma_wait3A_61 = tpu.memref_squeeze %dma_wait3A_60 : memref<1x80xi32, #tpu.memory_space<vmem>> -> memref<80xi32, #tpu.memory_space<vmem>>
        %dma_wait3A_62 = arith.constant 0 : i32
        %dma_wait3A_63 = arith.constant 0 : i32
        %dma_wait3A_64 = tpu.memref_slice %arg2[%dma_wait3A_62, %dma_wait3A_63] : memref<10240x128xf32, #tpu.memory_space<hbm>> -> memref<10240x128xf32, #tpu.memory_space<hbm>>
        tpu.wait_indirect_dma semaphore(%arg20 : memref<!tpu.dma_semaphore, #tpu.memory_space<semaphore_mem>>) src(%dma_wait3A_64 : memref<10240x128xf32, #tpu.memory_space<hbm>>) dst(%arg13 : memref<80x128xf32, #tpu.memory_space<vmem>>)
        %run_scoped3A_65 = arith.constant 1 : i32
        "tpu.region"() ({
          %run_scoped3A_73 = tpu.sem_alloc : memref<!tpu.dma_semaphore, #tpu.memory_space<semaphore_mem>>
          %dma_start3A_74 = arith.constant 0 : i32
          %dma_start3A_75 = tpu.memref_slice %arg10[%run_scoped3A_65, %dma_start3A_74] : memref<2x80xi32, #tpu.memory_space<vmem>> -> memref<1x80xi32, #tpu.memory_space<vmem>>
          %dma_start3A_76 = tpu.memref_squeeze %dma_start3A_75 : memref<1x80xi32, #tpu.memory_space<vmem>> -> memref<80xi32, #tpu.memory_space<vmem>>
          %dma_start3A_77 = arith.constant 0 : i32
          %dma_start3A_78 = arith.constant 0 : i32
          %dma_start3A_79 = tpu.memref_slice %arg14[%dma_start3A_77, %dma_start3A_78] : memref<10240x128xf32, #tpu.memory_space<vmem_shared>> -> memref<10240x128xf32, #tpu.memory_space<vmem_shared>>
          tpu.enqueue_indirect_dma source(%arg13 : memref<80x128xf32, #tpu.memory_space<vmem>>) target(%dma_start3A_79 : memref<10240x128xf32, #tpu.memory_space<vmem_shared>>) offsets(%dma_start3A_76 : memref<80xi32, #tpu.memory_space<vmem>>) semaphore(%run_scoped3A_73 : memref<!tpu.dma_semaphore, #tpu.memory_space<semaphore_mem>>) {add = true}
          %dma_wait3A_80 = arith.constant 0 : i32
          %dma_wait3A_81 = tpu.memref_slice %arg10[%run_scoped3A_65, %dma_wait3A_80] : memref<2x80xi32, #tpu.memory_space<vmem>> -> memref<1x80xi32, #tpu.memory_space<vmem>>
          %dma_wait3A_82 = tpu.memref_squeeze %dma_wait3A_81 : memref<1x80xi32, #tpu.memory_space<vmem>> -> memref<80xi32, #tpu.memory_space<vmem>>
          %dma_wait3A_83 = arith.constant 0 : i32
          %dma_wait3A_84 = arith.constant 0 : i32
          %dma_wait3A_85 = tpu.memref_slice %arg14[%dma_wait3A_83, %dma_wait3A_84] : memref<10240x128xf32, #tpu.memory_space<vmem_shared>> -> memref<10240x128xf32, #tpu.memory_space<vmem_shared>>
          tpu.wait_indirect_dma semaphore(%run_scoped3A_73 : memref<!tpu.dma_semaphore, #tpu.memory_space<semaphore_mem>>) src(%arg13 : memref<80x128xf32, #tpu.memory_space<vmem>>) dst(%dma_wait3A_85 : memref<10240x128xf32, #tpu.memory_space<vmem_shared>>)
          tpu.yield
        }) : () -> ()
        %add3A_66 = arith.constant 2 : i32
        %add3A_67 = arith.addi %scan3A_32, %add3A_66 : i32
        %lt3A_68 = arith.constant 125 : i32
        %lt3A_69 = arith.cmpi slt, %add3A_67, %lt3A_68 : i32
        %convert_element_type3A_70 = arith.extui %lt3A_69 : i1 to i32
        %cond3A_71 = arith.constant 0 : i32
        %cond3A_72 = arith.cmpi ne, %convert_element_type3A_70, %cond3A_71 : i32
        scf.if %cond3A_72 {
          %add3A_73 = arith.constant 2 : i32
          %add3A_74 = arith.addi %scan3A_32, %add3A_73 : i32
          %dma_start3A_75 = arith.constant 0 : i32
          %dma_start3A_76 = arith.constant 0 : i32
          %dma_start3A_77 = tpu.memref_slice %arg3[%add3A, %add3A_74, %dma_start3A_75, %dma_start3A_76] : memref<32x125x2x80xi32, #tpu.memory_space<hbm>> -> memref<1x1x2x80xi32, #tpu.memory_space<hbm>>
          %dma_start3A_78 = tpu.memref_squeeze %dma_start3A_77 : memref<1x1x2x80xi32, #tpu.memory_space<hbm>> -> memref<2x80xi32, #tpu.memory_space<hbm>>
          %dma_start3A_79 = arith.constant 0 : i32
          %dma_start3A_80 = arith.constant 0 : i32
          %dma_start3A_81 = tpu.memref_slice %arg3[%add3A, %add3A_74, %dma_start3A_79, %dma_start3A_80] : memref<32x125x2x80xi32, #tpu.memory_space<hbm>> -> memref<1x1x2x80xi32, #tpu.memory_space<hbm>>
          %dma_start3A_82 = tpu.memref_squeeze %dma_start3A_81 : memref<1x1x2x80xi32, #tpu.memory_space<hbm>> -> memref<2x80xi32, #tpu.memory_space<hbm>>
          tpu.enqueue_dma source(%dma_start3A_82 : memref<2x80xi32, #tpu.memory_space<hbm>>) target(%arg9 : memref<2x80xi32, #tpu.memory_space<vmem>>) target_semaphore(%arg16 : memref<!tpu.dma_semaphore, #tpu.memory_space<semaphore_mem>>)
        } else {
        }
      } else {
      }
    }
    %scan3A_23 = arith.constant 125 : i32
    %barrier3A_24 = arith.constant 0 : index
    tpu.barrier barrier_id(%barrier3A_24)
    %eq3A = arith.constant 0 : i32
    %eq3A_25 = arith.cmpi eq, %arg0, %eq3A : i32
    %convert_element_type3A = arith.extui %eq3A_25 : i1 to i32
    %cond3A = arith.constant 0 : i32
    %cond3A_26 = arith.cmpi ne, %convert_element_type3A, %cond3A : i32
    scf.if %cond3A_26 {
      "tpu.region"() ({
        %run_scoped3A_32 = tpu.sem_alloc : memref<!tpu.dma_semaphore, #tpu.memory_space<semaphore_mem>>
        %dma_start3A_33 = arith.constant 0 : i32
        %dma_start3A_34 = tpu.memref_slice %arg6[%mul3A_2, %dma_start3A_33] : memref<10240x128xf32, #tpu.memory_space<hbm>> -> memref<640x128xf32, #tpu.memory_space<hbm>>
        %dma_start3A_35 = arith.constant 0 : i32
        %dma_start3A_36 = tpu.memref_slice %arg14[%mul3A_2, %dma_start3A_35] : memref<10240x128xf32, #tpu.memory_space<vmem_shared>> -> memref<640x128xf32, #tpu.memory_space<vmem_shared>>
        tpu.enqueue_dma source(%dma_start3A_36 : memref<640x128xf32, #tpu.memory_space<vmem_shared>>) target(%dma_start3A_34 : memref<640x128xf32, #tpu.memory_space<hbm>>) target_semaphore(%run_scoped3A_32 : memref<!tpu.dma_semaphore, #tpu.memory_space<semaphore_mem>>)
        %dma_wait3A = arith.constant 0 : i32
        %dma_wait3A_37 = tpu.memref_slice %arg6[%mul3A_2, %dma_wait3A] : memref<10240x128xf32, #tpu.memory_space<hbm>> -> memref<640x128xf32, #tpu.memory_space<hbm>>
        %dma_wait3A_38 = arith.constant 0 : i32
        %dma_wait3A_39 = tpu.memref_slice %arg14[%mul3A_2, %dma_wait3A_38] : memref<10240x128xf32, #tpu.memory_space<vmem_shared>> -> memref<640x128xf32, #tpu.memory_space<vmem_shared>>
        tpu.wait_dma2 semaphore(%run_scoped3A_32 : memref<!tpu.dma_semaphore, #tpu.memory_space<semaphore_mem>>) src(%dma_wait3A_39 : memref<640x128xf32, #tpu.memory_space<vmem_shared>>) dst(%dma_wait3A_37 : memref<640x128xf32, #tpu.memory_space<hbm>>)
        tpu.yield
      }) : () -> ()
    } else {
    }
    %eq3A_27 = arith.constant 1 : i32
    %eq3A_28 = arith.cmpi eq, %arg0, %eq3A_27 : i32
    %convert_element_type3A_29 = arith.extui %eq3A_28 : i1 to i32
    %cond3A_30 = arith.constant 0 : i32
    %cond3A_31 = arith.cmpi ne, %convert_element_type3A_29, %cond3A_30 : i32
    scf.if %cond3A_31 {
      "tpu.region"() ({
        %run_scoped3A_32 = tpu.sem_alloc : memref<!tpu.dma_semaphore, #tpu.memory_space<semaphore_mem>>
        %dma_start3A_33 = arith.constant 0 : i32
        %dma_start3A_34 = tpu.memref_slice %arg7[%mul3A_2, %dma_start3A_33] : memref<10240x128xf32, #tpu.memory_space<hbm>> -> memref<640x128xf32, #tpu.memory_space<hbm>>
        %dma_start3A_35 = arith.constant 0 : i32
        %dma_start3A_36 = tpu.memref_slice %arg14[%mul3A_2, %dma_start3A_35] : memref<10240x128xf32, #tpu.memory_space<vmem_shared>> -> memref<640x128xf32, #tpu.memory_space<vmem_shared>>
        tpu.enqueue_dma source(%dma_start3A_36 : memref<640x128xf32, #tpu.memory_space<vmem_shared>>) target(%dma_start3A_34 : memref<640x128xf32, #tpu.memory_space<hbm>>) target_semaphore(%run_scoped3A_32 : memref<!tpu.dma_semaphore, #tpu.memory_space<semaphore_mem>>)
        %dma_wait3A = arith.constant 0 : i32
        %dma_wait3A_37 = tpu.memref_slice %arg7[%mul3A_2, %dma_wait3A] : memref<10240x128xf32, #tpu.memory_space<hbm>> -> memref<640x128xf32, #tpu.memory_space<hbm>>
        %dma_wait3A_38 = arith.constant 0 : i32
        %dma_wait3A_39 = tpu.memref_slice %arg14[%mul3A_2, %dma_wait3A_38] : memref<10240x128xf32, #tpu.memory_space<vmem_shared>> -> memref<640x128xf32, #tpu.memory_space<vmem_shared>>
        tpu.wait_dma2 semaphore(%run_scoped3A_32 : memref<!tpu.dma_semaphore, #tpu.memory_space<semaphore_mem>>) src(%dma_wait3A_39 : memref<640x128xf32, #tpu.memory_space<vmem_shared>>) dst(%dma_wait3A_37 : memref<640x128xf32, #tpu.memory_space<hbm>>)
        tpu.yield
      }) : () -> ()
    } else {
    }
    return
  }
}

#map = affine_map<(d0, d1) -> (0, 0)>
#map1 = affine_map<(d0, d1) -> (0, 0, 0, 0)>
#map2 = affine_map<(d0, d1) -> (0)>
module attributes {stable_mosaic.version = 14 : i64} {
  func.func @seg_sum(%arg0: i32, %arg1: i32, %arg2: memref<10240x128xf32, #tpu.memory_space<hbm>>, %arg3: memref<32x125x2x80xi32, #tpu.memory_space<hbm>>, %arg4: memref<640x128xf32, #tpu.memory_space<hbm>>, %arg5: memref<10240xf32, #tpu.memory_space<hbm>>, %arg6: memref<10240x128xf32, #tpu.memory_space<hbm>>, %arg7: memref<10240x128xf32, #tpu.memory_space<hbm>>, %arg8: memref<32x10240xf32, #tpu.memory_space<hbm>>, %arg9: memref<2x80xi32, #tpu.memory_space<vmem>>, %arg10: memref<2x80xi32, #tpu.memory_space<vmem>>, %arg11: memref<2x80xi32, #tpu.memory_space<vmem>>, %arg12: memref<80x128xf32, #tpu.memory_space<vmem>>, %arg13: memref<80x128xf32, #tpu.memory_space<vmem>>, %arg14: memref<80x128xf32, #tpu.memory_space<vmem>>, %arg15: memref<10240x128xf32, #tpu.memory_space<vmem_shared>>, %arg16: memref<!tpu.dma_semaphore, #tpu.memory_space<semaphore_mem>>, %arg17: memref<!tpu.dma_semaphore, #tpu.memory_space<semaphore_mem>>, %arg18: memref<!tpu.dma_semaphore, #tpu.memory_space<semaphore_mem>>, %arg19: memref<!tpu.dma_semaphore, #tpu.memory_space<semaphore_mem>>, %arg20: memref<!tpu.dma_semaphore, #tpu.memory_space<semaphore_mem>>, %arg21: memref<!tpu.dma_semaphore, #tpu.memory_space<semaphore_mem>>, %arg22: memref<10240xf32, #tpu.memory_space<vmem>>) attributes {dimension_semantics = [#tpu.dimension_semantics<core_parallel>, #tpu.dimension_semantics<subcore_parallel>], iteration_bounds = array<i64: 2, 16>, scalar_prefetch = 0 : i64, scratch_operands = 14 : i64, tpu.core_type = #tpu.core_type<sc_vector_subcore>, window_params = [{transform_indices = #map}, {transform_indices = #map1}, {transform_indices = #map}, {transform_indices = #map2}, {transform_indices = #map}, {transform_indices = #map}, {transform_indices = #map}]} {
    %mul3A = arith.constant 16 : i32
    %mul3A_0 = arith.muli %arg0, %mul3A : i32
    %add3A = arith.addi %mul3A_0, %arg1 : i32
    %mul3A_1 = arith.constant 640 : i32
    %mul3A_2 = arith.muli %arg1, %mul3A_1 : i32
    %broadcast_in_dim3A = arith.constant 1.000000e+00 : f32
    %broadcast_in_dim3A_3 = vector.broadcast %broadcast_in_dim3A : f32 to vector<16xf32>
    "tpu.region"() ({
      %run_scoped3A_32 = tpu.sem_alloc : memref<!tpu.dma_semaphore, #tpu.memory_space<semaphore_mem>>
      %dma_start3A_33 = arith.constant 0 : i32
      %dma_start3A_34 = tpu.memref_slice %arg15[%mul3A_2, %dma_start3A_33] : memref<10240x128xf32, #tpu.memory_space<vmem_shared>> -> memref<640x128xf32, #tpu.memory_space<vmem_shared>>
      tpu.enqueue_dma source(%arg4 : memref<640x128xf32, #tpu.memory_space<hbm>>) target(%dma_start3A_34 : memref<640x128xf32, #tpu.memory_space<vmem_shared>>) target_semaphore(%run_scoped3A_32 : memref<!tpu.dma_semaphore, #tpu.memory_space<semaphore_mem>>)
      %dma_wait3A = arith.constant 0 : i32
      %dma_wait3A_35 = tpu.memref_slice %arg15[%mul3A_2, %dma_wait3A] : memref<10240x128xf32, #tpu.memory_space<vmem_shared>> -> memref<640x128xf32, #tpu.memory_space<vmem_shared>>
      tpu.wait_dma2 semaphore(%run_scoped3A_32 : memref<!tpu.dma_semaphore, #tpu.memory_space<semaphore_mem>>) src(%arg4 : memref<640x128xf32, #tpu.memory_space<hbm>>) dst(%dma_wait3A_35 : memref<640x128xf32, #tpu.memory_space<vmem_shared>>)
      tpu.yield
    }) : () -> ()
    "tpu.region"() ({
      %run_scoped3A_32 = tpu.sem_alloc : memref<!tpu.dma_semaphore, #tpu.memory_space<semaphore_mem>>
      tpu.enqueue_dma source(%arg5 : memref<10240xf32, #tpu.memory_space<hbm>>) target(%arg22 : memref<10240xf32, #tpu.memory_space<vmem>>) target_semaphore(%run_scoped3A_32 : memref<!tpu.dma_semaphore, #tpu.memory_space<semaphore_mem>>)
      tpu.wait_dma2 semaphore(%run_scoped3A_32 : memref<!tpu.dma_semaphore, #tpu.memory_space<semaphore_mem>>) src(%arg5 : memref<10240xf32, #tpu.memory_space<hbm>>) dst(%arg22 : memref<10240xf32, #tpu.memory_space<vmem>>)
      tpu.yield
    }) : () -> ()
    %barrier3A = arith.constant 0 : index
    tpu.barrier barrier_id(%barrier3A)
    %run_scoped3A = arith.constant 0 : i32
    "tpu.region"() ({
      %run_scoped3A_32 = tpu.sem_alloc : memref<!tpu.dma_semaphore, #tpu.memory_space<semaphore_mem>>
      %dma_start3A_33 = arith.constant 0 : i32
      %dma_start3A_34 = arith.constant 0 : i32
      %dma_start3A_35 = tpu.memref_slice %arg3[%add3A, %run_scoped3A, %dma_start3A_33, %dma_start3A_34] : memref<32x125x2x80xi32, #tpu.memory_space<hbm>> -> memref<1x1x2x80xi32, #tpu.memory_space<hbm>>
      %dma_start3A_36 = tpu.memref_squeeze %dma_start3A_35 : memref<1x1x2x80xi32, #tpu.memory_space<hbm>> -> memref<2x80xi32, #tpu.memory_space<hbm>>
      %dma_start3A_37 = arith.constant 0 : i32
      %dma_start3A_38 = arith.constant 0 : i32
      %dma_start3A_39 = tpu.memref_slice %arg3[%add3A, %run_scoped3A, %dma_start3A_37, %dma_start3A_38] : memref<32x125x2x80xi32, #tpu.memory_space<hbm>> -> memref<1x1x2x80xi32, #tpu.memory_space<hbm>>
      %dma_start3A_40 = tpu.memref_squeeze %dma_start3A_39 : memref<1x1x2x80xi32, #tpu.memory_space<hbm>> -> memref<2x80xi32, #tpu.memory_space<hbm>>
      tpu.enqueue_dma source(%dma_start3A_40 : memref<2x80xi32, #tpu.memory_space<hbm>>) target(%arg9 : memref<2x80xi32, #tpu.memory_space<vmem>>) target_semaphore(%run_scoped3A_32 : memref<!tpu.dma_semaphore, #tpu.memory_space<semaphore_mem>>)
      %dma_wait3A = arith.constant 0 : i32
      %dma_wait3A_41 = arith.constant 0 : i32
      %dma_wait3A_42 = tpu.memref_slice %arg3[%add3A, %run_scoped3A, %dma_wait3A, %dma_wait3A_41] : memref<32x125x2x80xi32, #tpu.memory_space<hbm>> -> memref<1x1x2x80xi32, #tpu.memory_space<hbm>>
      %dma_wait3A_43 = tpu.memref_squeeze %dma_wait3A_42 : memref<1x1x2x80xi32, #tpu.memory_space<hbm>> -> memref<2x80xi32, #tpu.memory_space<hbm>>
      %dma_wait3A_44 = arith.constant 0 : i32
      %dma_wait3A_45 = arith.constant 0 : i32
      %dma_wait3A_46 = tpu.memref_slice %arg3[%add3A, %run_scoped3A, %dma_wait3A_44, %dma_wait3A_45] : memref<32x125x2x80xi32, #tpu.memory_space<hbm>> -> memref<1x1x2x80xi32, #tpu.memory_space<hbm>>
      %dma_wait3A_47 = tpu.memref_squeeze %dma_wait3A_46 : memref<1x1x2x80xi32, #tpu.memory_space<hbm>> -> memref<2x80xi32, #tpu.memory_space<hbm>>
      tpu.wait_dma2 semaphore(%run_scoped3A_32 : memref<!tpu.dma_semaphore, #tpu.memory_space<semaphore_mem>>) src(%dma_wait3A_47 : memref<2x80xi32, #tpu.memory_space<hbm>>) dst(%arg9 : memref<2x80xi32, #tpu.memory_space<vmem>>)
      tpu.yield
    }) : () -> ()
    %dma_start3A = arith.constant 0 : i32
    %dma_start3A_4 = arith.constant 0 : i32
    %dma_start3A_5 = tpu.memref_slice %arg9[%dma_start3A, %dma_start3A_4] : memref<2x80xi32, #tpu.memory_space<vmem>> -> memref<1x80xi32, #tpu.memory_space<vmem>>
    %dma_start3A_6 = tpu.memref_squeeze %dma_start3A_5 : memref<1x80xi32, #tpu.memory_space<vmem>> -> memref<80xi32, #tpu.memory_space<vmem>>
    %dma_start3A_7 = arith.constant 0 : i32
    %dma_start3A_8 = arith.constant 0 : i32
    %dma_start3A_9 = tpu.memref_slice %arg2[%dma_start3A_7, %dma_start3A_8] : memref<10240x128xf32, #tpu.memory_space<hbm>> -> memref<10240x128xf32, #tpu.memory_space<hbm>>
    tpu.enqueue_indirect_dma source(%dma_start3A_9 : memref<10240x128xf32, #tpu.memory_space<hbm>>) target(%arg12 : memref<80x128xf32, #tpu.memory_space<vmem>>) offsets(%dma_start3A_6 : memref<80xi32, #tpu.memory_space<vmem>>) semaphore(%arg19 : memref<!tpu.dma_semaphore, #tpu.memory_space<semaphore_mem>>)
    %dma_start3A_10 = arith.constant 1 : i32
    %dma_start3A_11 = arith.constant 0 : i32
    %dma_start3A_12 = arith.constant 0 : i32
    %dma_start3A_13 = tpu.memref_slice %arg3[%add3A, %dma_start3A_10, %dma_start3A_11, %dma_start3A_12] : memref<32x125x2x80xi32, #tpu.memory_space<hbm>> -> memref<1x1x2x80xi32, #tpu.memory_space<hbm>>
    %dma_start3A_14 = tpu.memref_squeeze %dma_start3A_13 : memref<1x1x2x80xi32, #tpu.memory_space<hbm>> -> memref<2x80xi32, #tpu.memory_space<hbm>>
    %dma_start3A_15 = arith.constant 0 : i32
    %dma_start3A_16 = arith.constant 0 : i32
    %dma_start3A_17 = tpu.memref_slice %arg3[%add3A, %dma_start3A_10, %dma_start3A_15, %dma_start3A_16] : memref<32x125x2x80xi32, #tpu.memory_space<hbm>> -> memref<1x1x2x80xi32, #tpu.memory_space<hbm>>
    %dma_start3A_18 = tpu.memref_squeeze %dma_start3A_17 : memref<1x1x2x80xi32, #tpu.memory_space<hbm>> -> memref<2x80xi32, #tpu.memory_space<hbm>>
    tpu.enqueue_dma source(%dma_start3A_18 : memref<2x80xi32, #tpu.memory_space<hbm>>) target(%arg10 : memref<2x80xi32, #tpu.memory_space<vmem>>) target_semaphore(%arg17 : memref<!tpu.dma_semaphore, #tpu.memory_space<semaphore_mem>>)
    %scan3A = arith.constant 0 : i32
    %scan3A_19 = arith.constant 0 : i32
    %scan3A_20 = arith.constant 125 : i32
    %scan3A_21 = arith.addi %scan3A_19, %scan3A_20 : i32
    %scan3A_22 = arith.constant 1 : i32
    scf.for %scan3A_32 = %scan3A_19 to %scan3A_21 step %scan3A_22  : i32 {
      %rem3A = arith.constant 3 : i32
      %rem3A_33 = arith.remsi %scan3A_32, %rem3A : i32
      %eq3A_34 = arith.constant 0 : i32
      %eq3A_35 = arith.cmpi eq, %rem3A_33, %eq3A_34 : i32
      %convert_element_type3A_36 = arith.extui %eq3A_35 : i1 to i32
      %cond3A_37 = arith.constant 0 : i32
      %cond3A_38 = arith.cmpi ne, %convert_element_type3A_36, %cond3A_37 : i32
      scf.if %cond3A_38 {
        %add3A_53 = arith.constant 1 : i32
        %add3A_54 = arith.addi %scan3A_32, %add3A_53 : i32
        %lt3A = arith.constant 125 : i32
        %lt3A_55 = arith.cmpi slt, %add3A_54, %lt3A : i32
        %convert_element_type3A_56 = arith.extui %lt3A_55 : i1 to i32
        %cond3A_57 = arith.constant 0 : i32
        %cond3A_58 = arith.cmpi ne, %convert_element_type3A_56, %cond3A_57 : i32
        scf.if %cond3A_58 {
          %add3A_92 = arith.constant 1 : i32
          %add3A_93 = arith.addi %scan3A_32, %add3A_92 : i32
          %dma_wait3A_94 = arith.constant 0 : i32
          %dma_wait3A_95 = arith.constant 0 : i32
          %dma_wait3A_96 = tpu.memref_slice %arg3[%add3A, %add3A_93, %dma_wait3A_94, %dma_wait3A_95] : memref<32x125x2x80xi32, #tpu.memory_space<hbm>> -> memref<1x1x2x80xi32, #tpu.memory_space<hbm>>
          %dma_wait3A_97 = tpu.memref_squeeze %dma_wait3A_96 : memref<1x1x2x80xi32, #tpu.memory_space<hbm>> -> memref<2x80xi32, #tpu.memory_space<hbm>>
          %dma_wait3A_98 = arith.constant 0 : i32
          %dma_wait3A_99 = arith.constant 0 : i32
          %dma_wait3A_100 = tpu.memref_slice %arg3[%add3A, %add3A_93, %dma_wait3A_98, %dma_wait3A_99] : memref<32x125x2x80xi32, #tpu.memory_space<hbm>> -> memref<1x1x2x80xi32, #tpu.memory_space<hbm>>
          %dma_wait3A_101 = tpu.memref_squeeze %dma_wait3A_100 : memref<1x1x2x80xi32, #tpu.memory_space<hbm>> -> memref<2x80xi32, #tpu.memory_space<hbm>>
          tpu.wait_dma2 semaphore(%arg17 : memref<!tpu.dma_semaphore, #tpu.memory_space<semaphore_mem>>) src(%dma_wait3A_101 : memref<2x80xi32, #tpu.memory_space<hbm>>) dst(%arg10 : memref<2x80xi32, #tpu.memory_space<vmem>>)
          %dma_start3A_102 = arith.constant 0 : i32
          %dma_start3A_103 = arith.constant 0 : i32
          %dma_start3A_104 = tpu.memref_slice %arg10[%dma_start3A_102, %dma_start3A_103] : memref<2x80xi32, #tpu.memory_space<vmem>> -> memref<1x80xi32, #tpu.memory_space<vmem>>
          %dma_start3A_105 = tpu.memref_squeeze %dma_start3A_104 : memref<1x80xi32, #tpu.memory_space<vmem>> -> memref<80xi32, #tpu.memory_space<vmem>>
          %dma_start3A_106 = arith.constant 0 : i32
          %dma_start3A_107 = arith.constant 0 : i32
          %dma_start3A_108 = tpu.memref_slice %arg2[%dma_start3A_106, %dma_start3A_107] : memref<10240x128xf32, #tpu.memory_space<hbm>> -> memref<10240x128xf32, #tpu.memory_space<hbm>>
          tpu.enqueue_indirect_dma source(%dma_start3A_108 : memref<10240x128xf32, #tpu.memory_space<hbm>>) target(%arg13 : memref<80x128xf32, #tpu.memory_space<vmem>>) offsets(%dma_start3A_105 : memref<80xi32, #tpu.memory_space<vmem>>) semaphore(%arg20 : memref<!tpu.dma_semaphore, #tpu.memory_space<semaphore_mem>>)
        } else {
        }
        %dma_wait3A = arith.constant 0 : i32
        %dma_wait3A_59 = arith.constant 0 : i32
        %dma_wait3A_60 = tpu.memref_slice %arg9[%dma_wait3A, %dma_wait3A_59] : memref<2x80xi32, #tpu.memory_space<vmem>> -> memref<1x80xi32, #tpu.memory_space<vmem>>
        %dma_wait3A_61 = tpu.memref_squeeze %dma_wait3A_60 : memref<1x80xi32, #tpu.memory_space<vmem>> -> memref<80xi32, #tpu.memory_space<vmem>>
        %dma_wait3A_62 = arith.constant 0 : i32
        %dma_wait3A_63 = arith.constant 0 : i32
        %dma_wait3A_64 = tpu.memref_slice %arg2[%dma_wait3A_62, %dma_wait3A_63] : memref<10240x128xf32, #tpu.memory_space<hbm>> -> memref<10240x128xf32, #tpu.memory_space<hbm>>
        tpu.wait_indirect_dma semaphore(%arg19 : memref<!tpu.dma_semaphore, #tpu.memory_space<semaphore_mem>>) src(%dma_wait3A_64 : memref<10240x128xf32, #tpu.memory_space<hbm>>) dst(%arg12 : memref<80x128xf32, #tpu.memory_space<vmem>>)
        %run_scoped3A_65 = arith.constant 1 : i32
        "tpu.region"() ({
          %run_scoped3A_92 = tpu.sem_alloc : memref<!tpu.dma_semaphore, #tpu.memory_space<semaphore_mem>>
          %dma_start3A_93 = arith.constant 0 : i32
          %dma_start3A_94 = tpu.memref_slice %arg9[%run_scoped3A_65, %dma_start3A_93] : memref<2x80xi32, #tpu.memory_space<vmem>> -> memref<1x80xi32, #tpu.memory_space<vmem>>
          %dma_start3A_95 = tpu.memref_squeeze %dma_start3A_94 : memref<1x80xi32, #tpu.memory_space<vmem>> -> memref<80xi32, #tpu.memory_space<vmem>>
          %dma_start3A_96 = arith.constant 0 : i32
          %dma_start3A_97 = arith.constant 0 : i32
          %dma_start3A_98 = tpu.memref_slice %arg15[%dma_start3A_96, %dma_start3A_97] : memref<10240x128xf32, #tpu.memory_space<vmem_shared>> -> memref<10240x128xf32, #tpu.memory_space<vmem_shared>>
          tpu.enqueue_indirect_dma source(%arg12 : memref<80x128xf32, #tpu.memory_space<vmem>>) target(%dma_start3A_98 : memref<10240x128xf32, #tpu.memory_space<vmem_shared>>) offsets(%dma_start3A_95 : memref<80xi32, #tpu.memory_space<vmem>>) semaphore(%run_scoped3A_92 : memref<!tpu.dma_semaphore, #tpu.memory_space<semaphore_mem>>) {add = true}
          %dma_wait3A_99 = arith.constant 0 : i32
          %dma_wait3A_100 = tpu.memref_slice %arg9[%run_scoped3A_65, %dma_wait3A_99] : memref<2x80xi32, #tpu.memory_space<vmem>> -> memref<1x80xi32, #tpu.memory_space<vmem>>
          %dma_wait3A_101 = tpu.memref_squeeze %dma_wait3A_100 : memref<1x80xi32, #tpu.memory_space<vmem>> -> memref<80xi32, #tpu.memory_space<vmem>>
          %dma_wait3A_102 = arith.constant 0 : i32
          %dma_wait3A_103 = arith.constant 0 : i32
          %dma_wait3A_104 = tpu.memref_slice %arg15[%dma_wait3A_102, %dma_wait3A_103] : memref<10240x128xf32, #tpu.memory_space<vmem_shared>> -> memref<10240x128xf32, #tpu.memory_space<vmem_shared>>
          tpu.wait_indirect_dma semaphore(%run_scoped3A_92 : memref<!tpu.dma_semaphore, #tpu.memory_space<semaphore_mem>>) src(%arg12 : memref<80x128xf32, #tpu.memory_space<vmem>>) dst(%dma_wait3A_104 : memref<10240x128xf32, #tpu.memory_space<vmem_shared>>)
          tpu.yield
        }) : () -> ()
        %get3A = arith.constant 1 : i32
        %get3A_66 = arith.index_cast %get3A : i32 to index
        %get3A_67 = arith.constant 0 : index
        %get3A_68 = tpu.vector_load %arg9[%get3A_66, %get3A_67] {strides = array<i32>} : memref<2x80xi32, #tpu.memory_space<vmem>>, vector<16xi32>,
        tpu.vector_store_idx %arg22[%get3A_68], %broadcast_in_dim3A_3 {add = true} : memref<10240xf32, #tpu.memory_space<vmem>>[vector<16xi32>], vector<16xf32>,
        %get3A_69 = arith.constant 1 : i32
        %get3A_70 = arith.index_cast %get3A_69 : i32 to index
        %get3A_71 = arith.constant 16 : index
        %get3A_72 = tpu.vector_load %arg9[%get3A_70, %get3A_71] {strides = array<i32>} : memref<2x80xi32, #tpu.memory_space<vmem>>, vector<16xi32>,
        tpu.vector_store_idx %arg22[%get3A_72], %broadcast_in_dim3A_3 {add = true} : memref<10240xf32, #tpu.memory_space<vmem>>[vector<16xi32>], vector<16xf32>,
        %get3A_73 = arith.constant 1 : i32
        %get3A_74 = arith.index_cast %get3A_73 : i32 to index
        %get3A_75 = arith.constant 32 : index
        %get3A_76 = tpu.vector_load %arg9[%get3A_74, %get3A_75] {strides = array<i32>} : memref<2x80xi32, #tpu.memory_space<vmem>>, vector<16xi32>,
        tpu.vector_store_idx %arg22[%get3A_76], %broadcast_in_dim3A_3 {add = true} : memref<10240xf32, #tpu.memory_space<vmem>>[vector<16xi32>], vector<16xf32>,
        %get3A_77 = arith.constant 1 : i32
        %get3A_78 = arith.index_cast %get3A_77 : i32 to index
        %get3A_79 = arith.constant 48 : index
        %get3A_80 = tpu.vector_load %arg9[%get3A_78, %get3A_79] {strides = array<i32>} : memref<2x80xi32, #tpu.memory_space<vmem>>, vector<16xi32>,
        tpu.vector_store_idx %arg22[%get3A_80], %broadcast_in_dim3A_3 {add = true} : memref<10240xf32, #tpu.memory_space<vmem>>[vector<16xi32>], vector<16xf32>,
        %get3A_81 = arith.constant 1 : i32
        %get3A_82 = arith.index_cast %get3A_81 : i32 to index
        %get3A_83 = arith.constant 64 : index
        %get3A_84 = tpu.vector_load %arg9[%get3A_82, %get3A_83] {strides = array<i32>} : memref<2x80xi32, #tpu.memory_space<vmem>>, vector<16xi32>,
        tpu.vector_store_idx %arg22[%get3A_84], %broadcast_in_dim3A_3 {add = true} : memref<10240xf32, #tpu.memory_space<vmem>>[vector<16xi32>], vector<16xf32>,
        %add3A_85 = arith.constant 2 : i32
        %add3A_86 = arith.addi %scan3A_32, %add3A_85 : i32
        %lt3A_87 = arith.constant 125 : i32
        %lt3A_88 = arith.cmpi slt, %add3A_86, %lt3A_87 : i32
        %convert_element_type3A_89 = arith.extui %lt3A_88 : i1 to i32
        %cond3A_90 = arith.constant 0 : i32
        %cond3A_91 = arith.cmpi ne, %convert_element_type3A_89, %cond3A_90 : i32
        scf.if %cond3A_91 {
          %add3A_92 = arith.constant 2 : i32
          %add3A_93 = arith.addi %scan3A_32, %add3A_92 : i32
          %dma_start3A_94 = arith.constant 0 : i32
          %dma_start3A_95 = arith.constant 0 : i32
          %dma_start3A_96 = tpu.memref_slice %arg3[%add3A, %add3A_93, %dma_start3A_94, %dma_start3A_95] : memref<32x125x2x80xi32, #tpu.memory_space<hbm>> -> memref<1x1x2x80xi32, #tpu.memory_space<hbm>>
          %dma_start3A_97 = tpu.memref_squeeze %dma_start3A_96 : memref<1x1x2x80xi32, #tpu.memory_space<hbm>> -> memref<2x80xi32, #tpu.memory_space<hbm>>
          %dma_start3A_98 = arith.constant 0 : i32
          %dma_start3A_99 = arith.constant 0 : i32
          %dma_start3A_100 = tpu.memref_slice %arg3[%add3A, %add3A_93, %dma_start3A_98, %dma_start3A_99] : memref<32x125x2x80xi32, #tpu.memory_space<hbm>> -> memref<1x1x2x80xi32, #tpu.memory_space<hbm>>
          %dma_start3A_101 = tpu.memref_squeeze %dma_start3A_100 : memref<1x1x2x80xi32, #tpu.memory_space<hbm>> -> memref<2x80xi32, #tpu.memory_space<hbm>>
          tpu.enqueue_dma source(%dma_start3A_101 : memref<2x80xi32, #tpu.memory_space<hbm>>) target(%arg11 : memref<2x80xi32, #tpu.memory_space<vmem>>) target_semaphore(%arg18 : memref<!tpu.dma_semaphore, #tpu.memory_space<semaphore_mem>>)
        } else {
        }
      } else {
      }
      %rem3A_39 = arith.constant 3 : i32
      %rem3A_40 = arith.remsi %scan3A_32, %rem3A_39 : i32
      %eq3A_41 = arith.constant 1 : i32
      %eq3A_42 = arith.cmpi eq, %rem3A_40, %eq3A_41 : i32
      %convert_element_type3A_43 = arith.extui %eq3A_42 : i1 to i32
      %cond3A_44 = arith.constant 0 : i32
      %cond3A_45 = arith.cmpi ne, %convert_element_type3A_43, %cond3A_44 : i32
      scf.if %cond3A_45 {
        %add3A_53 = arith.constant 1 : i32
        %add3A_54 = arith.addi %scan3A_32, %add3A_53 : i32
        %lt3A = arith.constant 125 : i32
        %lt3A_55 = arith.cmpi slt, %add3A_54, %lt3A : i32
        %convert_element_type3A_56 = arith.extui %lt3A_55 : i1 to i32
        %cond3A_57 = arith.constant 0 : i32
        %cond3A_58 = arith.cmpi ne, %convert_element_type3A_56, %cond3A_57 : i32
        scf.if %cond3A_58 {
          %add3A_92 = arith.constant 1 : i32
          %add3A_93 = arith.addi %scan3A_32, %add3A_92 : i32
          %dma_wait3A_94 = arith.constant 0 : i32
          %dma_wait3A_95 = arith.constant 0 : i32
          %dma_wait3A_96 = tpu.memref_slice %arg3[%add3A, %add3A_93, %dma_wait3A_94, %dma_wait3A_95] : memref<32x125x2x80xi32, #tpu.memory_space<hbm>> -> memref<1x1x2x80xi32, #tpu.memory_space<hbm>>
          %dma_wait3A_97 = tpu.memref_squeeze %dma_wait3A_96 : memref<1x1x2x80xi32, #tpu.memory_space<hbm>> -> memref<2x80xi32, #tpu.memory_space<hbm>>
          %dma_wait3A_98 = arith.constant 0 : i32
          %dma_wait3A_99 = arith.constant 0 : i32
          %dma_wait3A_100 = tpu.memref_slice %arg3[%add3A, %add3A_93, %dma_wait3A_98, %dma_wait3A_99] : memref<32x125x2x80xi32, #tpu.memory_space<hbm>> -> memref<1x1x2x80xi32, #tpu.memory_space<hbm>>
          %dma_wait3A_101 = tpu.memref_squeeze %dma_wait3A_100 : memref<1x1x2x80xi32, #tpu.memory_space<hbm>> -> memref<2x80xi32, #tpu.memory_space<hbm>>
          tpu.wait_dma2 semaphore(%arg18 : memref<!tpu.dma_semaphore, #tpu.memory_space<semaphore_mem>>) src(%dma_wait3A_101 : memref<2x80xi32, #tpu.memory_space<hbm>>) dst(%arg11 : memref<2x80xi32, #tpu.memory_space<vmem>>)
          %dma_start3A_102 = arith.constant 0 : i32
          %dma_start3A_103 = arith.constant 0 : i32
          %dma_start3A_104 = tpu.memref_slice %arg11[%dma_start3A_102, %dma_start3A_103] : memref<2x80xi32, #tpu.memory_space<vmem>> -> memref<1x80xi32, #tpu.memory_space<vmem>>
          %dma_start3A_105 = tpu.memref_squeeze %dma_start3A_104 : memref<1x80xi32, #tpu.memory_space<vmem>> -> memref<80xi32, #tpu.memory_space<vmem>>
          %dma_start3A_106 = arith.constant 0 : i32
          %dma_start3A_107 = arith.constant 0 : i32
          %dma_start3A_108 = tpu.memref_slice %arg2[%dma_start3A_106, %dma_start3A_107] : memref<10240x128xf32, #tpu.memory_space<hbm>> -> memref<10240x128xf32, #tpu.memory_space<hbm>>
          tpu.enqueue_indirect_dma source(%dma_start3A_108 : memref<10240x128xf32, #tpu.memory_space<hbm>>) target(%arg14 : memref<80x128xf32, #tpu.memory_space<vmem>>) offsets(%dma_start3A_105 : memref<80xi32, #tpu.memory_space<vmem>>) semaphore(%arg21 : memref<!tpu.dma_semaphore, #tpu.memory_space<semaphore_mem>>)
        } else {
        }
        %dma_wait3A = arith.constant 0 : i32
        %dma_wait3A_59 = arith.constant 0 : i32
        %dma_wait3A_60 = tpu.memref_slice %arg10[%dma_wait3A, %dma_wait3A_59] : memref<2x80xi32, #tpu.memory_space<vmem>> -> memref<1x80xi32, #tpu.memory_space<vmem>>
        %dma_wait3A_61 = tpu.memref_squeeze %dma_wait3A_60 : memref<1x80xi32, #tpu.memory_space<vmem>> -> memref<80xi32, #tpu.memory_space<vmem>>
        %dma_wait3A_62 = arith.constant 0 : i32
        %dma_wait3A_63 = arith.constant 0 : i32
        %dma_wait3A_64 = tpu.memref_slice %arg2[%dma_wait3A_62, %dma_wait3A_63] : memref<10240x128xf32, #tpu.memory_space<hbm>> -> memref<10240x128xf32, #tpu.memory_space<hbm>>
        tpu.wait_indirect_dma semaphore(%arg20 : memref<!tpu.dma_semaphore, #tpu.memory_space<semaphore_mem>>) src(%dma_wait3A_64 : memref<10240x128xf32, #tpu.memory_space<hbm>>) dst(%arg13 : memref<80x128xf32, #tpu.memory_space<vmem>>)
        %run_scoped3A_65 = arith.constant 1 : i32
        "tpu.region"() ({
          %run_scoped3A_92 = tpu.sem_alloc : memref<!tpu.dma_semaphore, #tpu.memory_space<semaphore_mem>>
          %dma_start3A_93 = arith.constant 0 : i32
          %dma_start3A_94 = tpu.memref_slice %arg10[%run_scoped3A_65, %dma_start3A_93] : memref<2x80xi32, #tpu.memory_space<vmem>> -> memref<1x80xi32, #tpu.memory_space<vmem>>
          %dma_start3A_95 = tpu.memref_squeeze %dma_start3A_94 : memref<1x80xi32, #tpu.memory_space<vmem>> -> memref<80xi32, #tpu.memory_space<vmem>>
          %dma_start3A_96 = arith.constant 0 : i32
          %dma_start3A_97 = arith.constant 0 : i32
          %dma_start3A_98 = tpu.memref_slice %arg15[%dma_start3A_96, %dma_start3A_97] : memref<10240x128xf32, #tpu.memory_space<vmem_shared>> -> memref<10240x128xf32, #tpu.memory_space<vmem_shared>>
          tpu.enqueue_indirect_dma source(%arg13 : memref<80x128xf32, #tpu.memory_space<vmem>>) target(%dma_start3A_98 : memref<10240x128xf32, #tpu.memory_space<vmem_shared>>) offsets(%dma_start3A_95 : memref<80xi32, #tpu.memory_space<vmem>>) semaphore(%run_scoped3A_92 : memref<!tpu.dma_semaphore, #tpu.memory_space<semaphore_mem>>) {add = true}
          %dma_wait3A_99 = arith.constant 0 : i32
          %dma_wait3A_100 = tpu.memref_slice %arg10[%run_scoped3A_65, %dma_wait3A_99] : memref<2x80xi32, #tpu.memory_space<vmem>> -> memref<1x80xi32, #tpu.memory_space<vmem>>
          %dma_wait3A_101 = tpu.memref_squeeze %dma_wait3A_100 : memref<1x80xi32, #tpu.memory_space<vmem>> -> memref<80xi32, #tpu.memory_space<vmem>>
          %dma_wait3A_102 = arith.constant 0 : i32
          %dma_wait3A_103 = arith.constant 0 : i32
          %dma_wait3A_104 = tpu.memref_slice %arg15[%dma_wait3A_102, %dma_wait3A_103] : memref<10240x128xf32, #tpu.memory_space<vmem_shared>> -> memref<10240x128xf32, #tpu.memory_space<vmem_shared>>
          tpu.wait_indirect_dma semaphore(%run_scoped3A_92 : memref<!tpu.dma_semaphore, #tpu.memory_space<semaphore_mem>>) src(%arg13 : memref<80x128xf32, #tpu.memory_space<vmem>>) dst(%dma_wait3A_104 : memref<10240x128xf32, #tpu.memory_space<vmem_shared>>)
          tpu.yield
        }) : () -> ()
        %get3A = arith.constant 1 : i32
        %get3A_66 = arith.index_cast %get3A : i32 to index
        %get3A_67 = arith.constant 0 : index
        %get3A_68 = tpu.vector_load %arg10[%get3A_66, %get3A_67] {strides = array<i32>} : memref<2x80xi32, #tpu.memory_space<vmem>>, vector<16xi32>,
        tpu.vector_store_idx %arg22[%get3A_68], %broadcast_in_dim3A_3 {add = true} : memref<10240xf32, #tpu.memory_space<vmem>>[vector<16xi32>], vector<16xf32>,
        %get3A_69 = arith.constant 1 : i32
        %get3A_70 = arith.index_cast %get3A_69 : i32 to index
        %get3A_71 = arith.constant 16 : index
        %get3A_72 = tpu.vector_load %arg10[%get3A_70, %get3A_71] {strides = array<i32>} : memref<2x80xi32, #tpu.memory_space<vmem>>, vector<16xi32>,
        tpu.vector_store_idx %arg22[%get3A_72], %broadcast_in_dim3A_3 {add = true} : memref<10240xf32, #tpu.memory_space<vmem>>[vector<16xi32>], vector<16xf32>,
        %get3A_73 = arith.constant 1 : i32
        %get3A_74 = arith.index_cast %get3A_73 : i32 to index
        %get3A_75 = arith.constant 32 : index
        %get3A_76 = tpu.vector_load %arg10[%get3A_74, %get3A_75] {strides = array<i32>} : memref<2x80xi32, #tpu.memory_space<vmem>>, vector<16xi32>,
        tpu.vector_store_idx %arg22[%get3A_76], %broadcast_in_dim3A_3 {add = true} : memref<10240xf32, #tpu.memory_space<vmem>>[vector<16xi32>], vector<16xf32>,
        %get3A_77 = arith.constant 1 : i32
        %get3A_78 = arith.index_cast %get3A_77 : i32 to index
        %get3A_79 = arith.constant 48 : index
        %get3A_80 = tpu.vector_load %arg10[%get3A_78, %get3A_79] {strides = array<i32>} : memref<2x80xi32, #tpu.memory_space<vmem>>, vector<16xi32>,
        tpu.vector_store_idx %arg22[%get3A_80], %broadcast_in_dim3A_3 {add = true} : memref<10240xf32, #tpu.memory_space<vmem>>[vector<16xi32>], vector<16xf32>,
        %get3A_81 = arith.constant 1 : i32
        %get3A_82 = arith.index_cast %get3A_81 : i32 to index
        %get3A_83 = arith.constant 64 : index
        %get3A_84 = tpu.vector_load %arg10[%get3A_82, %get3A_83] {strides = array<i32>} : memref<2x80xi32, #tpu.memory_space<vmem>>, vector<16xi32>,
        tpu.vector_store_idx %arg22[%get3A_84], %broadcast_in_dim3A_3 {add = true} : memref<10240xf32, #tpu.memory_space<vmem>>[vector<16xi32>], vector<16xf32>,
        %add3A_85 = arith.constant 2 : i32
        %add3A_86 = arith.addi %scan3A_32, %add3A_85 : i32
        %lt3A_87 = arith.constant 125 : i32
        %lt3A_88 = arith.cmpi slt, %add3A_86, %lt3A_87 : i32
        %convert_element_type3A_89 = arith.extui %lt3A_88 : i1 to i32
        %cond3A_90 = arith.constant 0 : i32
        %cond3A_91 = arith.cmpi ne, %convert_element_type3A_89, %cond3A_90 : i32
        scf.if %cond3A_91 {
          %add3A_92 = arith.constant 2 : i32
          %add3A_93 = arith.addi %scan3A_32, %add3A_92 : i32
          %dma_start3A_94 = arith.constant 0 : i32
          %dma_start3A_95 = arith.constant 0 : i32
          %dma_start3A_96 = tpu.memref_slice %arg3[%add3A, %add3A_93, %dma_start3A_94, %dma_start3A_95] : memref<32x125x2x80xi32, #tpu.memory_space<hbm>> -> memref<1x1x2x80xi32, #tpu.memory_space<hbm>>
          %dma_start3A_97 = tpu.memref_squeeze %dma_start3A_96 : memref<1x1x2x80xi32, #tpu.memory_space<hbm>> -> memref<2x80xi32, #tpu.memory_space<hbm>>
          %dma_start3A_98 = arith.constant 0 : i32
          %dma_start3A_99 = arith.constant 0 : i32
          %dma_start3A_100 = tpu.memref_slice %arg3[%add3A, %add3A_93, %dma_start3A_98, %dma_start3A_99] : memref<32x125x2x80xi32, #tpu.memory_space<hbm>> -> memref<1x1x2x80xi32, #tpu.memory_space<hbm>>
          %dma_start3A_101 = tpu.memref_squeeze %dma_start3A_100 : memref<1x1x2x80xi32, #tpu.memory_space<hbm>> -> memref<2x80xi32, #tpu.memory_space<hbm>>
          tpu.enqueue_dma source(%dma_start3A_101 : memref<2x80xi32, #tpu.memory_space<hbm>>) target(%arg9 : memref<2x80xi32, #tpu.memory_space<vmem>>) target_semaphore(%arg16 : memref<!tpu.dma_semaphore, #tpu.memory_space<semaphore_mem>>)
        } else {
        }
      } else {
      }
      %rem3A_46 = arith.constant 3 : i32
      %rem3A_47 = arith.remsi %scan3A_32, %rem3A_46 : i32
      %eq3A_48 = arith.constant 2 : i32
      %eq3A_49 = arith.cmpi eq, %rem3A_47, %eq3A_48 : i32
      %convert_element_type3A_50 = arith.extui %eq3A_49 : i1 to i32
      %cond3A_51 = arith.constant 0 : i32
      %cond3A_52 = arith.cmpi ne, %convert_element_type3A_50, %cond3A_51 : i32
      scf.if %cond3A_52 {
        %add3A_53 = arith.constant 1 : i32
        %add3A_54 = arith.addi %scan3A_32, %add3A_53 : i32
        %lt3A = arith.constant 125 : i32
        %lt3A_55 = arith.cmpi slt, %add3A_54, %lt3A : i32
        %convert_element_type3A_56 = arith.extui %lt3A_55 : i1 to i32
        %cond3A_57 = arith.constant 0 : i32
        %cond3A_58 = arith.cmpi ne, %convert_element_type3A_56, %cond3A_57 : i32
        scf.if %cond3A_58 {
          %add3A_92 = arith.constant 1 : i32
          %add3A_93 = arith.addi %scan3A_32, %add3A_92 : i32
          %dma_wait3A_94 = arith.constant 0 : i32
          %dma_wait3A_95 = arith.constant 0 : i32
          %dma_wait3A_96 = tpu.memref_slice %arg3[%add3A, %add3A_93, %dma_wait3A_94, %dma_wait3A_95] : memref<32x125x2x80xi32, #tpu.memory_space<hbm>> -> memref<1x1x2x80xi32, #tpu.memory_space<hbm>>
          %dma_wait3A_97 = tpu.memref_squeeze %dma_wait3A_96 : memref<1x1x2x80xi32, #tpu.memory_space<hbm>> -> memref<2x80xi32, #tpu.memory_space<hbm>>
          %dma_wait3A_98 = arith.constant 0 : i32
          %dma_wait3A_99 = arith.constant 0 : i32
          %dma_wait3A_100 = tpu.memref_slice %arg3[%add3A, %add3A_93, %dma_wait3A_98, %dma_wait3A_99] : memref<32x125x2x80xi32, #tpu.memory_space<hbm>> -> memref<1x1x2x80xi32, #tpu.memory_space<hbm>>
          %dma_wait3A_101 = tpu.memref_squeeze %dma_wait3A_100 : memref<1x1x2x80xi32, #tpu.memory_space<hbm>> -> memref<2x80xi32, #tpu.memory_space<hbm>>
          tpu.wait_dma2 semaphore(%arg16 : memref<!tpu.dma_semaphore, #tpu.memory_space<semaphore_mem>>) src(%dma_wait3A_101 : memref<2x80xi32, #tpu.memory_space<hbm>>) dst(%arg9 : memref<2x80xi32, #tpu.memory_space<vmem>>)
          %dma_start3A_102 = arith.constant 0 : i32
          %dma_start3A_103 = arith.constant 0 : i32
          %dma_start3A_104 = tpu.memref_slice %arg9[%dma_start3A_102, %dma_start3A_103] : memref<2x80xi32, #tpu.memory_space<vmem>> -> memref<1x80xi32, #tpu.memory_space<vmem>>
          %dma_start3A_105 = tpu.memref_squeeze %dma_start3A_104 : memref<1x80xi32, #tpu.memory_space<vmem>> -> memref<80xi32, #tpu.memory_space<vmem>>
          %dma_start3A_106 = arith.constant 0 : i32
          %dma_start3A_107 = arith.constant 0 : i32
          %dma_start3A_108 = tpu.memref_slice %arg2[%dma_start3A_106, %dma_start3A_107] : memref<10240x128xf32, #tpu.memory_space<hbm>> -> memref<10240x128xf32, #tpu.memory_space<hbm>>
          tpu.enqueue_indirect_dma source(%dma_start3A_108 : memref<10240x128xf32, #tpu.memory_space<hbm>>) target(%arg12 : memref<80x128xf32, #tpu.memory_space<vmem>>) offsets(%dma_start3A_105 : memref<80xi32, #tpu.memory_space<vmem>>) semaphore(%arg19 : memref<!tpu.dma_semaphore, #tpu.memory_space<semaphore_mem>>)
        } else {
        }
        %dma_wait3A = arith.constant 0 : i32
        %dma_wait3A_59 = arith.constant 0 : i32
        %dma_wait3A_60 = tpu.memref_slice %arg11[%dma_wait3A, %dma_wait3A_59] : memref<2x80xi32, #tpu.memory_space<vmem>> -> memref<1x80xi32, #tpu.memory_space<vmem>>
        %dma_wait3A_61 = tpu.memref_squeeze %dma_wait3A_60 : memref<1x80xi32, #tpu.memory_space<vmem>> -> memref<80xi32, #tpu.memory_space<vmem>>
        %dma_wait3A_62 = arith.constant 0 : i32
        %dma_wait3A_63 = arith.constant 0 : i32
        %dma_wait3A_64 = tpu.memref_slice %arg2[%dma_wait3A_62, %dma_wait3A_63] : memref<10240x128xf32, #tpu.memory_space<hbm>> -> memref<10240x128xf32, #tpu.memory_space<hbm>>
        tpu.wait_indirect_dma semaphore(%arg21 : memref<!tpu.dma_semaphore, #tpu.memory_space<semaphore_mem>>) src(%dma_wait3A_64 : memref<10240x128xf32, #tpu.memory_space<hbm>>) dst(%arg14 : memref<80x128xf32, #tpu.memory_space<vmem>>)
        %run_scoped3A_65 = arith.constant 1 : i32
        "tpu.region"() ({
          %run_scoped3A_92 = tpu.sem_alloc : memref<!tpu.dma_semaphore, #tpu.memory_space<semaphore_mem>>
          %dma_start3A_93 = arith.constant 0 : i32
          %dma_start3A_94 = tpu.memref_slice %arg11[%run_scoped3A_65, %dma_start3A_93] : memref<2x80xi32, #tpu.memory_space<vmem>> -> memref<1x80xi32, #tpu.memory_space<vmem>>
          %dma_start3A_95 = tpu.memref_squeeze %dma_start3A_94 : memref<1x80xi32, #tpu.memory_space<vmem>> -> memref<80xi32, #tpu.memory_space<vmem>>
          %dma_start3A_96 = arith.constant 0 : i32
          %dma_start3A_97 = arith.constant 0 : i32
          %dma_start3A_98 = tpu.memref_slice %arg15[%dma_start3A_96, %dma_start3A_97] : memref<10240x128xf32, #tpu.memory_space<vmem_shared>> -> memref<10240x128xf32, #tpu.memory_space<vmem_shared>>
          tpu.enqueue_indirect_dma source(%arg14 : memref<80x128xf32, #tpu.memory_space<vmem>>) target(%dma_start3A_98 : memref<10240x128xf32, #tpu.memory_space<vmem_shared>>) offsets(%dma_start3A_95 : memref<80xi32, #tpu.memory_space<vmem>>) semaphore(%run_scoped3A_92 : memref<!tpu.dma_semaphore, #tpu.memory_space<semaphore_mem>>) {add = true}
          %dma_wait3A_99 = arith.constant 0 : i32
          %dma_wait3A_100 = tpu.memref_slice %arg11[%run_scoped3A_65, %dma_wait3A_99] : memref<2x80xi32, #tpu.memory_space<vmem>> -> memref<1x80xi32, #tpu.memory_space<vmem>>
          %dma_wait3A_101 = tpu.memref_squeeze %dma_wait3A_100 : memref<1x80xi32, #tpu.memory_space<vmem>> -> memref<80xi32, #tpu.memory_space<vmem>>
          %dma_wait3A_102 = arith.constant 0 : i32
          %dma_wait3A_103 = arith.constant 0 : i32
          %dma_wait3A_104 = tpu.memref_slice %arg15[%dma_wait3A_102, %dma_wait3A_103] : memref<10240x128xf32, #tpu.memory_space<vmem_shared>> -> memref<10240x128xf32, #tpu.memory_space<vmem_shared>>
          tpu.wait_indirect_dma semaphore(%run_scoped3A_92 : memref<!tpu.dma_semaphore, #tpu.memory_space<semaphore_mem>>) src(%arg14 : memref<80x128xf32, #tpu.memory_space<vmem>>) dst(%dma_wait3A_104 : memref<10240x128xf32, #tpu.memory_space<vmem_shared>>)
          tpu.yield
        }) : () -> ()
        %get3A = arith.constant 1 : i32
        %get3A_66 = arith.index_cast %get3A : i32 to index
        %get3A_67 = arith.constant 0 : index
        %get3A_68 = tpu.vector_load %arg11[%get3A_66, %get3A_67] {strides = array<i32>} : memref<2x80xi32, #tpu.memory_space<vmem>>, vector<16xi32>,
        tpu.vector_store_idx %arg22[%get3A_68], %broadcast_in_dim3A_3 {add = true} : memref<10240xf32, #tpu.memory_space<vmem>>[vector<16xi32>], vector<16xf32>,
        %get3A_69 = arith.constant 1 : i32
        %get3A_70 = arith.index_cast %get3A_69 : i32 to index
        %get3A_71 = arith.constant 16 : index
        %get3A_72 = tpu.vector_load %arg11[%get3A_70, %get3A_71] {strides = array<i32>} : memref<2x80xi32, #tpu.memory_space<vmem>>, vector<16xi32>,
        tpu.vector_store_idx %arg22[%get3A_72], %broadcast_in_dim3A_3 {add = true} : memref<10240xf32, #tpu.memory_space<vmem>>[vector<16xi32>], vector<16xf32>,
        %get3A_73 = arith.constant 1 : i32
        %get3A_74 = arith.index_cast %get3A_73 : i32 to index
        %get3A_75 = arith.constant 32 : index
        %get3A_76 = tpu.vector_load %arg11[%get3A_74, %get3A_75] {strides = array<i32>} : memref<2x80xi32, #tpu.memory_space<vmem>>, vector<16xi32>,
        tpu.vector_store_idx %arg22[%get3A_76], %broadcast_in_dim3A_3 {add = true} : memref<10240xf32, #tpu.memory_space<vmem>>[vector<16xi32>], vector<16xf32>,
        %get3A_77 = arith.constant 1 : i32
        %get3A_78 = arith.index_cast %get3A_77 : i32 to index
        %get3A_79 = arith.constant 48 : index
        %get3A_80 = tpu.vector_load %arg11[%get3A_78, %get3A_79] {strides = array<i32>} : memref<2x80xi32, #tpu.memory_space<vmem>>, vector<16xi32>,
        tpu.vector_store_idx %arg22[%get3A_80], %broadcast_in_dim3A_3 {add = true} : memref<10240xf32, #tpu.memory_space<vmem>>[vector<16xi32>], vector<16xf32>,
        %get3A_81 = arith.constant 1 : i32
        %get3A_82 = arith.index_cast %get3A_81 : i32 to index
        %get3A_83 = arith.constant 64 : index
        %get3A_84 = tpu.vector_load %arg11[%get3A_82, %get3A_83] {strides = array<i32>} : memref<2x80xi32, #tpu.memory_space<vmem>>, vector<16xi32>,
        tpu.vector_store_idx %arg22[%get3A_84], %broadcast_in_dim3A_3 {add = true} : memref<10240xf32, #tpu.memory_space<vmem>>[vector<16xi32>], vector<16xf32>,
        %add3A_85 = arith.constant 2 : i32
        %add3A_86 = arith.addi %scan3A_32, %add3A_85 : i32
        %lt3A_87 = arith.constant 125 : i32
        %lt3A_88 = arith.cmpi slt, %add3A_86, %lt3A_87 : i32
        %convert_element_type3A_89 = arith.extui %lt3A_88 : i1 to i32
        %cond3A_90 = arith.constant 0 : i32
        %cond3A_91 = arith.cmpi ne, %convert_element_type3A_89, %cond3A_90 : i32
        scf.if %cond3A_91 {
          %add3A_92 = arith.constant 2 : i32
          %add3A_93 = arith.addi %scan3A_32, %add3A_92 : i32
          %dma_start3A_94 = arith.constant 0 : i32
          %dma_start3A_95 = arith.constant 0 : i32
          %dma_start3A_96 = tpu.memref_slice %arg3[%add3A, %add3A_93, %dma_start3A_94, %dma_start3A_95] : memref<32x125x2x80xi32, #tpu.memory_space<hbm>> -> memref<1x1x2x80xi32, #tpu.memory_space<hbm>>
          %dma_start3A_97 = tpu.memref_squeeze %dma_start3A_96 : memref<1x1x2x80xi32, #tpu.memory_space<hbm>> -> memref<2x80xi32, #tpu.memory_space<hbm>>
          %dma_start3A_98 = arith.constant 0 : i32
          %dma_start3A_99 = arith.constant 0 : i32
          %dma_start3A_100 = tpu.memref_slice %arg3[%add3A, %add3A_93, %dma_start3A_98, %dma_start3A_99] : memref<32x125x2x80xi32, #tpu.memory_space<hbm>> -> memref<1x1x2x80xi32, #tpu.memory_space<hbm>>
          %dma_start3A_101 = tpu.memref_squeeze %dma_start3A_100 : memref<1x1x2x80xi32, #tpu.memory_space<hbm>> -> memref<2x80xi32, #tpu.memory_space<hbm>>
          tpu.enqueue_dma source(%dma_start3A_101 : memref<2x80xi32, #tpu.memory_space<hbm>>) target(%arg10 : memref<2x80xi32, #tpu.memory_space<vmem>>) target_semaphore(%arg17 : memref<!tpu.dma_semaphore, #tpu.memory_space<semaphore_mem>>)
        } else {
        }
      } else {
      }
    }
    %scan3A_23 = arith.constant 125 : i32
    "tpu.region"() ({
      %run_scoped3A_32 = tpu.sem_alloc : memref<!tpu.dma_semaphore, #tpu.memory_space<semaphore_mem>>
      %dma_start3A_33 = arith.constant 0 : i32
      %dma_start3A_34 = tpu.memref_slice %arg8[%add3A, %dma_start3A_33] : memref<32x10240xf32, #tpu.memory_space<hbm>> -> memref<1x10240xf32, #tpu.memory_space<hbm>>
      %dma_start3A_35 = tpu.memref_squeeze %dma_start3A_34 : memref<1x10240xf32, #tpu.memory_space<hbm>> -> memref<10240xf32, #tpu.memory_space<hbm>>
      %dma_start3A_36 = arith.constant 0 : i32
      %dma_start3A_37 = tpu.memref_slice %arg8[%add3A, %dma_start3A_36] : memref<32x10240xf32, #tpu.memory_space<hbm>> -> memref<1x10240xf32, #tpu.memory_space<hbm>>
      %dma_start3A_38 = tpu.memref_squeeze %dma_start3A_37 : memref<1x10240xf32, #tpu.memory_space<hbm>> -> memref<10240xf32, #tpu.memory_space<hbm>>
      tpu.enqueue_dma source(%arg22 : memref<10240xf32, #tpu.memory_space<vmem>>) target(%dma_start3A_38 : memref<10240xf32, #tpu.memory_space<hbm>>) target_semaphore(%run_scoped3A_32 : memref<!tpu.dma_semaphore, #tpu.memory_space<semaphore_mem>>)
      %dma_wait3A = arith.constant 0 : i32
      %dma_wait3A_39 = tpu.memref_slice %arg8[%add3A, %dma_wait3A] : memref<32x10240xf32, #tpu.memory_space<hbm>> -> memref<1x10240xf32, #tpu.memory_space<hbm>>
      %dma_wait3A_40 = tpu.memref_squeeze %dma_wait3A_39 : memref<1x10240xf32, #tpu.memory_space<hbm>> -> memref<10240xf32, #tpu.memory_space<hbm>>
      %dma_wait3A_41 = arith.constant 0 : i32
      %dma_wait3A_42 = tpu.memref_slice %arg8[%add3A, %dma_wait3A_41] : memref<32x10240xf32, #tpu.memory_space<hbm>> -> memref<1x10240xf32, #tpu.memory_space<hbm>>
      %dma_wait3A_43 = tpu.memref_squeeze %dma_wait3A_42 : memref<1x10240xf32, #tpu.memory_space<hbm>> -> memref<10240xf32, #tpu.memory_space<hbm>>
      tpu.wait_dma2 semaphore(%run_scoped3A_32 : memref<!tpu.dma_semaphore, #tpu.memory_space<semaphore_mem>>) src(%arg22 : memref<10240xf32, #tpu.memory_space<vmem>>) dst(%dma_wait3A_43 : memref<10240xf32, #tpu.memory_space<hbm>>)
      tpu.yield
    }) : () -> ()
    %barrier3A_24 = arith.constant 0 : index
    tpu.barrier barrier_id(%barrier3A_24)
    %eq3A = arith.constant 0 : i32
    %eq3A_25 = arith.cmpi eq, %arg0, %eq3A : i32
    %convert_element_type3A = arith.extui %eq3A_25 : i1 to i32
    %cond3A = arith.constant 0 : i32
    %cond3A_26 = arith.cmpi ne, %convert_element_type3A, %cond3A : i32
    scf.if %cond3A_26 {
      "tpu.region"() ({
        %run_scoped3A_32 = tpu.sem_alloc : memref<!tpu.dma_semaphore, #tpu.memory_space<semaphore_mem>>
        %dma_start3A_33 = arith.constant 0 : i32
        %dma_start3A_34 = tpu.memref_slice %arg6[%mul3A_2, %dma_start3A_33] : memref<10240x128xf32, #tpu.memory_space<hbm>> -> memref<640x128xf32, #tpu.memory_space<hbm>>
        %dma_start3A_35 = arith.constant 0 : i32
        %dma_start3A_36 = tpu.memref_slice %arg15[%mul3A_2, %dma_start3A_35] : memref<10240x128xf32, #tpu.memory_space<vmem_shared>> -> memref<640x128xf32, #tpu.memory_space<vmem_shared>>
        tpu.enqueue_dma source(%dma_start3A_36 : memref<640x128xf32, #tpu.memory_space<vmem_shared>>) target(%dma_start3A_34 : memref<640x128xf32, #tpu.memory_space<hbm>>) target_semaphore(%run_scoped3A_32 : memref<!tpu.dma_semaphore, #tpu.memory_space<semaphore_mem>>)
        %dma_wait3A = arith.constant 0 : i32
        %dma_wait3A_37 = tpu.memref_slice %arg6[%mul3A_2, %dma_wait3A] : memref<10240x128xf32, #tpu.memory_space<hbm>> -> memref<640x128xf32, #tpu.memory_space<hbm>>
        %dma_wait3A_38 = arith.constant 0 : i32
        %dma_wait3A_39 = tpu.memref_slice %arg15[%mul3A_2, %dma_wait3A_38] : memref<10240x128xf32, #tpu.memory_space<vmem_shared>> -> memref<640x128xf32, #tpu.memory_space<vmem_shared>>
        tpu.wait_dma2 semaphore(%run_scoped3A_32 : memref<!tpu.dma_semaphore, #tpu.memory_space<semaphore_mem>>) src(%dma_wait3A_39 : memref<640x128xf32, #tpu.memory_space<vmem_shared>>) dst(%dma_wait3A_37 : memref<640x128xf32, #tpu.memory_space<hbm>>)
        tpu.yield
      }) : () -> ()
    } else {
    }
    %eq3A_27 = arith.constant 1 : i32
    %eq3A_28 = arith.cmpi eq, %arg0, %eq3A_27 : i32
    %convert_element_type3A_29 = arith.extui %eq3A_28 : i1 to i32
    %cond3A_30 = arith.constant 0 : i32
    %cond3A_31 = arith.cmpi ne, %convert_element_type3A_29, %cond3A_30 : i32
    scf.if %cond3A_31 {
      "tpu.region"() ({
        %run_scoped3A_32 = tpu.sem_alloc : memref<!tpu.dma_semaphore, #tpu.memory_space<semaphore_mem>>
        %dma_start3A_33 = arith.constant 0 : i32
        %dma_start3A_34 = tpu.memref_slice %arg7[%mul3A_2, %dma_start3A_33] : memref<10240x128xf32, #tpu.memory_space<hbm>> -> memref<640x128xf32, #tpu.memory_space<hbm>>
        %dma_start3A_35 = arith.constant 0 : i32
        %dma_start3A_36 = tpu.memref_slice %arg15[%mul3A_2, %dma_start3A_35] : memref<10240x128xf32, #tpu.memory_space<vmem_shared>> -> memref<640x128xf32, #tpu.memory_space<vmem_shared>>
        tpu.enqueue_dma source(%dma_start3A_36 : memref<640x128xf32, #tpu.memory_space<vmem_shared>>) target(%dma_start3A_34 : memref<640x128xf32, #tpu.memory_space<hbm>>) target_semaphore(%run_scoped3A_32 : memref<!tpu.dma_semaphore, #tpu.memory_space<semaphore_mem>>)
        %dma_wait3A = arith.constant 0 : i32
        %dma_wait3A_37 = tpu.memref_slice %arg7[%mul3A_2, %dma_wait3A] : memref<10240x128xf32, #tpu.memory_space<hbm>> -> memref<640x128xf32, #tpu.memory_space<hbm>>
        %dma_wait3A_38 = arith.constant 0 : i32
        %dma_wait3A_39 = tpu.memref_slice %arg15[%mul3A_2, %dma_wait3A_38] : memref<10240x128xf32, #tpu.memory_space<vmem_shared>> -> memref<640x128xf32, #tpu.memory_space<vmem_shared>>
        tpu.wait_dma2 semaphore(%run_scoped3A_32 : memref<!tpu.dma_semaphore, #tpu.memory_space<semaphore_mem>>) src(%dma_wait3A_39 : memref<640x128xf32, #tpu.memory_space<vmem_shared>>) dst(%dma_wait3A_37 : memref<640x128xf32, #tpu.memory_space<hbm>>)
        tpu.yield
      }) : () -> ()
    } else {
    }
    return
  }
}

module attributes {stable_mosaic.version = 14 : i64} {
  func.func @_tc1_body(%arg0: i32, %arg1: memref<1024x128xf32, #tpu.memory_space<vmem>>, %arg2: memref<1024x128xf32, #tpu.memory_space<vmem>>, %arg3: memref<32x1024xf32, #tpu.memory_space<vmem>>, %arg4: memref<1024x128xf32, #tpu.memory_space<vmem>>, %arg5: memref<128x128xf32, #tpu.memory_space<vmem>>, %arg6: memref<128x128xf32, #tpu.memory_space<vmem>>, %arg7: memref<8x128xf32, #tpu.memory_space<vmem>>, %arg8: memref<1024x128xf32, #tpu.memory_space<vmem>>, %arg9: memref<1024x1xf32, #tpu.memory_space<vmem>>) attributes {dimension_semantics = [#tpu.dimension_semantics<arbitrary>], iteration_bounds = array<i64: 10>, scalar_prefetch = 0 : i64, scratch_operands = 0 : i64, tpu.core_type = #tpu.core_type<tc>, window_params = [{transform_indices = @transform_0, window_bounds = array<i64: 1024, 128>}, {transform_indices = @transform_1, window_bounds = array<i64: 1024, 128>}, {transform_indices = @transform_2, window_bounds = array<i64: 32, 1024>}, {transform_indices = @transform_3, window_bounds = array<i64: 1024, 128>}, {pipeline_mode = #tpu.pipeline_mode<synchronous>, transform_indices = @transform_4, window_bounds = array<i64: 128, 128>}, {pipeline_mode = #tpu.pipeline_mode<synchronous>, transform_indices = @transform_5, window_bounds = array<i64: 128, 128>}, {pipeline_mode = #tpu.pipeline_mode<synchronous>, transform_indices = @transform_6, window_bounds = array<i64: 8, 128>}, {transform_indices = @transform_7, window_bounds = array<i64: 1024, 128>}, {transform_indices = @transform_8, window_bounds = array<i64: 1024, 1>}]} {
    %get3A = arith.constant 0 : index
    %get3A_0 = arith.constant 0 : index
    %get3A_1 = vector.load %arg1[%get3A, %get3A_0] : memref<1024x128xf32, #tpu.memory_space<vmem>>, vector<1024x128xf32>
    %get3A_2 = arith.constant 0 : index
    %get3A_3 = arith.constant 0 : index
    %get3A_4 = vector.load %arg2[%get3A_2, %get3A_3] : memref<1024x128xf32, #tpu.memory_space<vmem>>, vector<1024x128xf32>
    %add3A = arith.addf %get3A_1, %get3A_4 : vector<1024x128xf32>
    %get3A_5 = arith.constant 0 : index
    %get3A_6 = arith.constant 0 : index
    %get3A_7 = vector.load %arg3[%get3A_5, %get3A_6] : memref<32x1024xf32, #tpu.memory_space<vmem>>, vector<32x1024xf32>
    %broadcast_in_dim3A = arith.constant 1.000000e+00 : f32
    %broadcast_in_dim3A_8 = vector.broadcast %broadcast_in_dim3A : f32 to vector<32x1xf32>
    %dot_general3A = arith.constant dense<0.000000e+00> : vector<1024x1xf32>
    %dot_general3A_9 = tpu.matmul %get3A_7, %broadcast_in_dim3A_8, %dot_general3A {dimension_numbers = #tpu.dot_dimension_numbers<[0], [0], [1], [1], [0, 1, 1, 1], [], []>, transpose_lhs_hint = false} : vector<32x1024xf32>, vector<32x1xf32>, vector<1024x1xf32> -> vector<1024x1xf32>
    %max3A = arith.constant 1.000000e+00 : f32
    %max3A_10 = vector.broadcast %max3A : f32 to vector<1024x1xf32>
    %max3A_11 = arith.maximumf %dot_general3A_9, %max3A_10 : vector<1024x1xf32>
    %div3A = arith.constant 1.000000e+00 : f32
    %div3A_12 = vector.broadcast %div3A : f32 to vector<1024x1xf32>
    %div3A_13 = arith.divf %div3A_12, %max3A_11 : vector<1024x1xf32>
    %mul3A = vector.broadcast %div3A_13 : vector<1024x1xf32> to vector<1024x128xf32>
    %mul3A_14 = arith.mulf %add3A, %mul3A : vector<1024x128xf32>
    %get3A_15 = arith.constant 0 : index
    %get3A_16 = arith.constant 0 : index
    %get3A_17 = vector.load %arg5[%get3A_15, %get3A_16] : memref<128x128xf32, #tpu.memory_space<vmem>>, vector<128x128xf32>
    %dot_general3A_18 = arith.constant dense<0.000000e+00> : vector<1024x128xf32>
    %dot_general3A_19 = tpu.matmul %mul3A_14, %get3A_17, %dot_general3A_18 {dimension_numbers = #tpu.dot_dimension_numbers<[1], [1], [0], [0], [0, 0, 1, 0], [], []>, transpose_lhs_hint = false} : vector<1024x128xf32>, vector<128x128xf32>, vector<1024x128xf32> -> vector<1024x128xf32>
    %get3A_20 = arith.constant 0 : index
    %get3A_21 = arith.constant 0 : index
    %get3A_22 = vector.load %arg4[%get3A_20, %get3A_21] : memref<1024x128xf32, #tpu.memory_space<vmem>>, vector<1024x128xf32>
    %get3A_23 = arith.constant 0 : index
    %get3A_24 = arith.constant 0 : index
    %get3A_25 = vector.load %arg6[%get3A_23, %get3A_24] : memref<128x128xf32, #tpu.memory_space<vmem>>, vector<128x128xf32>
    %dot_general3A_26 = arith.constant dense<0.000000e+00> : vector<1024x128xf32>
    %dot_general3A_27 = tpu.matmul %get3A_22, %get3A_25, %dot_general3A_26 {dimension_numbers = #tpu.dot_dimension_numbers<[1], [1], [0], [0], [0, 0, 1, 0], [], []>, transpose_lhs_hint = false} : vector<1024x128xf32>, vector<128x128xf32>, vector<1024x128xf32> -> vector<1024x128xf32>
    %add3A_28 = arith.addf %dot_general3A_19, %dot_general3A_27 : vector<1024x128xf32>
    %get3A_29 = arith.constant 0 : index
    %get3A_30 = arith.constant 0 : index
    %get3A_31 = vector.load %arg7[%get3A_29, %get3A_30] : memref<8x128xf32, #tpu.memory_space<vmem>>, vector<1x128xf32>
    %add3A_32 = vector.broadcast %get3A_31 : vector<1x128xf32> to vector<1024x128xf32>
    %add3A_33 = arith.addf %add3A_28, %add3A_32 : vector<1024x128xf32>
    %max3A_34 = arith.constant 0.000000e+00 : f32
    %max3A_35 = vector.broadcast %max3A_34 : f32 to vector<1024x128xf32>
    %max3A_36 = arith.maximumf %add3A_33, %max3A_35 : vector<1024x128xf32>
    %swap3A = arith.constant 0 : index
    %swap3A_37 = arith.constant 0 : index
    %swap3A_38 = vector.load %arg8[%swap3A, %swap3A_37] : memref<1024x128xf32, #tpu.memory_space<vmem>>, vector<1024x128xf32>
    tpu.vector_store %arg8[%swap3A, %swap3A_37], %max3A_36 {strides = array<i32>} : memref<1024x128xf32, #tpu.memory_space<vmem>>, vector<1024x128xf32>,
    %swap3A_39 = arith.constant 0 : index
    %swap3A_40 = arith.constant 0 : index
    %swap3A_41 = vector.load %arg9[%swap3A_39, %swap3A_40] : memref<1024x1xf32, #tpu.memory_space<vmem>>, vector<1024x1xf32>
    tpu.vector_store %arg9[%swap3A_39, %swap3A_40], %div3A_13 {strides = array<i32>} : memref<1024x1xf32, #tpu.memory_space<vmem>>, vector<1024x1xf32>,
    return
  }
  func.func @transform_0(%arg0: i32) -> (i32, i32) {
    %c0_i32 = arith.constant 0 : i32
    %c0_i32_0 = arith.constant 0 : i32
    return %arg0, %c0_i32 : i32, i32
  }
  func.func @transform_1(%arg0: i32) -> (i32, i32) {
    %c0_i32 = arith.constant 0 : i32
    %c0_i32_0 = arith.constant 0 : i32
    return %arg0, %c0_i32 : i32, i32
  }
  func.func @transform_2(%arg0: i32) -> (i32, i32) {
    %c0_i32 = arith.constant 0 : i32
    %c0_i32_0 = arith.constant 0 : i32
    return %c0_i32, %arg0 : i32, i32
  }
  func.func @transform_3(%arg0: i32) -> (i32, i32) {
    %c0_i32 = arith.constant 0 : i32
    %c0_i32_0 = arith.constant 0 : i32
    return %arg0, %c0_i32 : i32, i32
  }
  func.func @transform_4(%arg0: i32) -> (i32, i32) {
    %c0_i32 = arith.constant 0 : i32
    %c0_i32_0 = arith.constant 0 : i32
    %c0_i32_1 = arith.constant 0 : i32
    return %c0_i32, %c0_i32_0 : i32, i32
  }
  func.func @transform_5(%arg0: i32) -> (i32, i32) {
    %c0_i32 = arith.constant 0 : i32
    %c0_i32_0 = arith.constant 0 : i32
    %c0_i32_1 = arith.constant 0 : i32
    return %c0_i32, %c0_i32_0 : i32, i32
  }
  func.func @transform_6(%arg0: i32) -> (i32, i32) {
    %c0_i32 = arith.constant 0 : i32
    %c0_i32_0 = arith.constant 0 : i32
    %c0_i32_1 = arith.constant 0 : i32
    return %c0_i32, %c0_i32_0 : i32, i32
  }
  func.func @transform_7(%arg0: i32) -> (i32, i32) {
    %c0_i32 = arith.constant 0 : i32
    %c0_i32_0 = arith.constant 0 : i32
    return %arg0, %c0_i32 : i32, i32
  }
  func.func @transform_8(%arg0: i32) -> (i32, i32) {
    %c0_i32 = arith.constant 0 : i32
    %c0_i32_0 = arith.constant 0 : i32
    return %arg0, %c0_i32 : i32, i32
  }
}

module attributes {stable_mosaic.version = 14 : i64} {
  func.func @_tc2_body(%arg0: i32, %arg1: memref<1024x128xf32, #tpu.memory_space<vmem>>, %arg2: memref<1024x128xf32, #tpu.memory_space<vmem>>, %arg3: memref<1024x1xf32, #tpu.memory_space<vmem>>, %arg4: memref<1024x128xf32, #tpu.memory_space<vmem>>, %arg5: memref<128x128xf32, #tpu.memory_space<vmem>>, %arg6: memref<128x128xf32, #tpu.memory_space<vmem>>, %arg7: memref<8x128xf32, #tpu.memory_space<vmem>>, %arg8: memref<128x128xf32, #tpu.memory_space<vmem>>, %arg9: memref<8x128xf32, #tpu.memory_space<vmem>>, %arg10: memref<1024x128xf32, #tpu.memory_space<vmem>>) attributes {dimension_semantics = [#tpu.dimension_semantics<arbitrary>], iteration_bounds = array<i64: 10>, scalar_prefetch = 0 : i64, scratch_operands = 0 : i64, tpu.core_type = #tpu.core_type<tc>, window_params = [{transform_indices = @transform_0, window_bounds = array<i64: 1024, 128>}, {transform_indices = @transform_1, window_bounds = array<i64: 1024, 128>}, {transform_indices = @transform_2, window_bounds = array<i64: 1024, 1>}, {transform_indices = @transform_3, window_bounds = array<i64: 1024, 128>}, {pipeline_mode = #tpu.pipeline_mode<synchronous>, transform_indices = @transform_4, window_bounds = array<i64: 128, 128>}, {pipeline_mode = #tpu.pipeline_mode<synchronous>, transform_indices = @transform_5, window_bounds = array<i64: 128, 128>}, {pipeline_mode = #tpu.pipeline_mode<synchronous>, transform_indices = @transform_6, window_bounds = array<i64: 8, 128>}, {pipeline_mode = #tpu.pipeline_mode<synchronous>, transform_indices = @transform_7, window_bounds = array<i64: 128, 128>}, {pipeline_mode = #tpu.pipeline_mode<synchronous>, transform_indices = @transform_8, window_bounds = array<i64: 8, 128>}, {transform_indices = @transform_9, window_bounds = array<i64: 1024, 128>}]} {
    %get3A = arith.constant 0 : index
    %get3A_0 = arith.constant 0 : index
    %get3A_1 = vector.load %arg1[%get3A, %get3A_0] : memref<1024x128xf32, #tpu.memory_space<vmem>>, vector<1024x128xf32>
    %get3A_2 = arith.constant 0 : index
    %get3A_3 = arith.constant 0 : index
    %get3A_4 = vector.load %arg2[%get3A_2, %get3A_3] : memref<1024x128xf32, #tpu.memory_space<vmem>>, vector<1024x128xf32>
    %add3A = arith.addf %get3A_1, %get3A_4 : vector<1024x128xf32>
    %get3A_5 = arith.constant 0 : index
    %get3A_6 = arith.constant 0 : index
    %get3A_7 = vector.load %arg3[%get3A_5, %get3A_6] : memref<1024x1xf32, #tpu.memory_space<vmem>>, vector<1024x1xf32>
    %mul3A = vector.broadcast %get3A_7 : vector<1024x1xf32> to vector<1024x128xf32>
    %mul3A_8 = arith.mulf %add3A, %mul3A : vector<1024x128xf32>
    %get3A_9 = arith.constant 0 : index
    %get3A_10 = arith.constant 0 : index
    %get3A_11 = vector.load %arg5[%get3A_9, %get3A_10] : memref<128x128xf32, #tpu.memory_space<vmem>>, vector<128x128xf32>
    %dot_general3A = arith.constant dense<0.000000e+00> : vector<1024x128xf32>
    %dot_general3A_12 = tpu.matmul %mul3A_8, %get3A_11, %dot_general3A {dimension_numbers = #tpu.dot_dimension_numbers<[1], [1], [0], [0], [0, 0, 1, 0], [], []>, transpose_lhs_hint = false} : vector<1024x128xf32>, vector<128x128xf32>, vector<1024x128xf32> -> vector<1024x128xf32>
    %get3A_13 = arith.constant 0 : index
    %get3A_14 = arith.constant 0 : index
    %get3A_15 = vector.load %arg4[%get3A_13, %get3A_14] : memref<1024x128xf32, #tpu.memory_space<vmem>>, vector<1024x128xf32>
    %get3A_16 = arith.constant 0 : index
    %get3A_17 = arith.constant 0 : index
    %get3A_18 = vector.load %arg6[%get3A_16, %get3A_17] : memref<128x128xf32, #tpu.memory_space<vmem>>, vector<128x128xf32>
    %dot_general3A_19 = arith.constant dense<0.000000e+00> : vector<1024x128xf32>
    %dot_general3A_20 = tpu.matmul %get3A_15, %get3A_18, %dot_general3A_19 {dimension_numbers = #tpu.dot_dimension_numbers<[1], [1], [0], [0], [0, 0, 1, 0], [], []>, transpose_lhs_hint = false} : vector<1024x128xf32>, vector<128x128xf32>, vector<1024x128xf32> -> vector<1024x128xf32>
    %add3A_21 = arith.addf %dot_general3A_12, %dot_general3A_20 : vector<1024x128xf32>
    %get3A_22 = arith.constant 0 : index
    %get3A_23 = arith.constant 0 : index
    %get3A_24 = vector.load %arg7[%get3A_22, %get3A_23] : memref<8x128xf32, #tpu.memory_space<vmem>>, vector<1x128xf32>
    %add3A_25 = vector.broadcast %get3A_24 : vector<1x128xf32> to vector<1024x128xf32>
    %add3A_26 = arith.addf %add3A_21, %add3A_25 : vector<1024x128xf32>
    %max3A = arith.constant 0.000000e+00 : f32
    %max3A_27 = vector.broadcast %max3A : f32 to vector<1024x128xf32>
    %max3A_28 = arith.maximumf %add3A_26, %max3A_27 : vector<1024x128xf32>
    %get3A_29 = arith.constant 0 : index
    %get3A_30 = arith.constant 0 : index
    %get3A_31 = vector.load %arg8[%get3A_29, %get3A_30] : memref<128x128xf32, #tpu.memory_space<vmem>>, vector<128x128xf32>
    %dot_general3A_32 = arith.constant dense<0.000000e+00> : vector<1024x128xf32>
    %dot_general3A_33 = tpu.matmul %max3A_28, %get3A_31, %dot_general3A_32 {dimension_numbers = #tpu.dot_dimension_numbers<[1], [1], [0], [0], [0, 0, 1, 0], [], []>, transpose_lhs_hint = false} : vector<1024x128xf32>, vector<128x128xf32>, vector<1024x128xf32> -> vector<1024x128xf32>
    %get3A_34 = arith.constant 0 : index
    %get3A_35 = arith.constant 0 : index
    %get3A_36 = vector.load %arg9[%get3A_34, %get3A_35] : memref<8x128xf32, #tpu.memory_space<vmem>>, vector<1x128xf32>
    %add3A_37 = vector.broadcast %get3A_36 : vector<1x128xf32> to vector<1024x128xf32>
    %add3A_38 = arith.addf %dot_general3A_33, %add3A_37 : vector<1024x128xf32>
    %iota3A = tpu.iota {dimensions = array<i32: 1>} : vector<1024x128xi32>
    %lt3A = arith.constant 40 : i32
    %lt3A_39 = vector.broadcast %lt3A : i32 to vector<1024x128xi32>
    %lt3A_40 = arith.cmpi slt, %iota3A, %lt3A_39 : vector<1024x128xi32>
    %jit3A = arith.constant -1.000000e+30 : f32
    %broadcast_in_dim3A = vector.broadcast %jit3A : f32 to vector<1024x128xf32>
    %select_n3A = arith.select %lt3A_40, %add3A_38, %broadcast_in_dim3A : vector<1024x128xi1>, vector<1024x128xf32>
    %reduce_max3A = arith.constant dense<0xFF800000> : vector<1024xf32>
    %reduce_max3A_41 = vector.multi_reduction <maximumf>, %select_n3A, %reduce_max3A [1] : vector<1024x128xf32> to vector<1024xf32>
    %broadcast_in_dim3A_42 = vector.shape_cast %reduce_max3A_41 : vector<1024xf32> to vector<1024x1xf32>
    %sub3A = vector.broadcast %broadcast_in_dim3A_42 : vector<1024x1xf32> to vector<1024x128xf32>
    %sub3A_43 = arith.subf %select_n3A, %sub3A : vector<1024x128xf32>
    %exp3A = math.exp %sub3A_43 : vector<1024x128xf32>
    %reduce_sum3A = arith.constant dense<0.000000e+00> : vector<1024xf32>
    %reduce_sum3A_44 = vector.multi_reduction <add>, %exp3A, %reduce_sum3A [1] : vector<1024x128xf32> to vector<1024xf32>
    %broadcast_in_dim3A_45 = vector.shape_cast %reduce_sum3A_44 : vector<1024xf32> to vector<1024x1xf32>
    %log3A = math.log %broadcast_in_dim3A_45 : vector<1024x1xf32>
    %add3A_46 = arith.addf %log3A, %broadcast_in_dim3A_42 : vector<1024x1xf32>
    %sub3A_47 = vector.broadcast %add3A_46 : vector<1024x1xf32> to vector<1024x128xf32>
    %sub3A_48 = arith.subf %select_n3A, %sub3A_47 : vector<1024x128xf32>
    %swap3A = arith.constant 0 : index
    %swap3A_49 = arith.constant 0 : index
    %swap3A_50 = vector.load %arg10[%swap3A, %swap3A_49] : memref<1024x128xf32, #tpu.memory_space<vmem>>, vector<1024x128xf32>
    tpu.vector_store %arg10[%swap3A, %swap3A_49], %sub3A_48 {strides = array<i32>} : memref<1024x128xf32, #tpu.memory_space<vmem>>, vector<1024x128xf32>,
    return
  }
  func.func @transform_0(%arg0: i32) -> (i32, i32) {
    %c0_i32 = arith.constant 0 : i32
    %c0_i32_0 = arith.constant 0 : i32
    return %arg0, %c0_i32 : i32, i32
  }
  func.func @transform_1(%arg0: i32) -> (i32, i32) {
    %c0_i32 = arith.constant 0 : i32
    %c0_i32_0 = arith.constant 0 : i32
    return %arg0, %c0_i32 : i32, i32
  }
  func.func @transform_2(%arg0: i32) -> (i32, i32) {
    %c0_i32 = arith.constant 0 : i32
    %c0_i32_0 = arith.constant 0 : i32
    return %arg0, %c0_i32 : i32, i32
  }
  func.func @transform_3(%arg0: i32) -> (i32, i32) {
    %c0_i32 = arith.constant 0 : i32
    %c0_i32_0 = arith.constant 0 : i32
    return %arg0, %c0_i32 : i32, i32
  }
  func.func @transform_4(%arg0: i32) -> (i32, i32) {
    %c0_i32 = arith.constant 0 : i32
    %c0_i32_0 = arith.constant 0 : i32
    %c0_i32_1 = arith.constant 0 : i32
    return %c0_i32, %c0_i32_0 : i32, i32
  }
  func.func @transform_5(%arg0: i32) -> (i32, i32) {
    %c0_i32 = arith.constant 0 : i32
    %c0_i32_0 = arith.constant 0 : i32
    %c0_i32_1 = arith.constant 0 : i32
    return %c0_i32, %c0_i32_0 : i32, i32
  }
  func.func @transform_6(%arg0: i32) -> (i32, i32) {
    %c0_i32 = arith.constant 0 : i32
    %c0_i32_0 = arith.constant 0 : i32
    %c0_i32_1 = arith.constant 0 : i32
    return %c0_i32, %c0_i32_0 : i32, i32
  }
  func.func @transform_7(%arg0: i32) -> (i32, i32) {
    %c0_i32 = arith.constant 0 : i32
    %c0_i32_0 = arith.constant 0 : i32
    %c0_i32_1 = arith.constant 0 : i32
    return %c0_i32, %c0_i32_0 : i32, i32
  }
  func.func @transform_8(%arg0: i32) -> (i32, i32) {
    %c0_i32 = arith.constant 0 : i32
    %c0_i32_0 = arith.constant 0 : i32
    %c0_i32_1 = arith.constant 0 : i32
    return %c0_i32, %c0_i32_0 : i32, i32
  }
  func.func @transform_9(%arg0: i32) -> (i32, i32) {
    %c0_i32 = arith.constant 0 : i32
    %c0_i32_0 = arith.constant 0 : i32
    return %arg0, %c0_i32 : i32, i32
  }
}

</mosaic_0001>

<sc_bundles>
// kernel: kernel.6.cloned.1.call-start
scs
__scs_entry_jumppad:
0x0: {  	(pc) =	sbr.rel $0x88, $3  }
0x1: {  	(tag) =	ssettag $0x0;
	lr =	simm.s32 $0x1  }
0x2: {  	[smem:$0x3F97] =	sst lr;
	_ =	strace $0xD0000000  }
0x3: {  	_ = 	snop  }
0x4: {  	_ = 	snop  }
0x5: {  	_ = 	snop  }
0x6: {  	_ = 	snop  }
0x7: {  	_ = 	snop  }
__scs_overlays_trampoline_lowered:
0x8: {  	[smem:$0x3FA6] =	sst s0  }
0x9: {  	[smem:$0x3FA7] =	sst s1  }
0xa: {  	[smem:$0x3FA8] =	sst s2  }
0xb: {  	[smem:$0x3FA9] =	sst s3  }
0xc: {  	[smem:$0x3FAA] =	sst s4  }
0xd: {  	[smem:$0x3FAB] =	sst s5  }
0xe: {  	[smem:$0x3FAC] =	sst s6  }
0xf: {  	[smem:$0x3FAD] =	sst s7  }
0x10: {  	[smem:$0x3FAE] =	sst s8  }
0x11: {  	[smem:$0x3FAF] =	sst s9;
	s0 =	simm.s32 @!p0 $0x0  }
0x12: {  	s1 =	sld [smem:$0x3F95];
	s0 =	simm.s32 @p0 $0x1  }
0x13: {  	[smem:$0x3FB0] =	sst s0;
	s0 =	simm.s32 @!p1 $0x0  }
0x14: {  	s2 =	sld [smem:$0x3F94];
	s0 =	simm.s32 @p1 $0x1  }
0x15: {  	[smem:$0x3FB1] =	sst s0;
	s0 =	simm.s32 @!p2 $0x0  }
0x16: {  	s3 =	sld [smem:$0x3FDB];
	s0 =	simm.s32 @p2 $0x1  }
0x17: {  	s4 =	simm.s32 $0x1BF5;
	[smem:$0x3FB3] =	sst s0  }
0x18: {  	s0 =	sld [smem:$0x3F96];
	_ =	swait.ge [sflag:s4], $0x0  }
0x19: {  	s7 =	sld [smem:$0x3F97]  }
0x1a: {  	s8 =	sadd.s32 $0xFFFFE003, lr  }
0x1b: {  	s9 =	sadd.s32 $0xFFFFFEF7, lr;
	s5 =	simm.s32 $0xFFFFFFFF;
	p2 =	slt.u32 s8, $0xFFFFF086  }
0x1c: {  	p1 =	slt.u32 s9, $0xF7A;
	s5 =	simm.s32 @!p2 $0x0  }
0x1d: {  	s5 =	simm.s32 @p1 $0x1;
	p0 =	seq.s32 s7, s2  }
0x1e: {  	s7 =	smul.u32 @!p0 $0xF7A, s2;
	p2 =	seq.s32 @!p0 s5, $0x0  }
0x1f: {  	s9 =	smul.u32 $0xF7A, s1;
	s8 =	simm.s32 @!p0 $0x1BF5;
	p2 =	por !p2, p0  }
0x20: {  	[sflag:s8] =	ssyncset.s32 @!p0 $0xFFFFF086;
	s6 =	sadd.s32 @!p0 s3, s7;
	s7 =	simm.s32 @!p0 $0x108  }
0x21: {  	s3 =	sadd.s32 s3, s9;
	s6 =	sadd.s32 @!p0 $0x88, s6;
	s7 =	simm.s32 @p2 $0x1082  }
0x22: {  	[simem:s7], [sflag:s8] =	dma.local @!p0 [hbm:s6], $0xF7A  }
0x23: {  	s9 =	sor.u32 $0xD0000000, s2;
	s6 =	simm.s32 $0x108;
	_ =	swait.ge @!p0 [sflag:s8], $0x0  }
0x24: {  	s3 =	sadd.s32 $0x88, s3;
	s6 =	simm.s32 @!p1 $0x1082;
	[sflag:s4] =	ssyncset.s32 $0xFFFFF086  }
0x25: {  	[simem:s6], [sflag:s4] =	dma.local [hbm:s3], $0xF7A  }
0x26: {  	[smem:$0x3F97] =	sst s1;
	(tag) =	ssettag s2;
	_ =	strace s9  }
0x27: {  	s1 =	sld [smem:$0x3FA7]  }
0x28: {  	s2 =	sld [smem:$0x3FA8]  }
0x29: {  	s4 =	sld [smem:$0x3FAA]  }
0x2a: {  	p0 =	seq.s32 s5, $0x0;
	s5 =	sld [smem:$0x3FAB]  }
0x2b: {  	s6 =	sld [smem:$0x3FAC]  }
0x2c: {  	s7 =	sld [smem:$0x3FAD]  }
0x2d: {  	s3 =	simm.s32 $0x108;
	s8 =	sld [smem:$0x3FAE]  }
0x2e: {  	s3 =	simm.s32 @!p0 $0x1082;
	s9 =	sld [smem:$0x3FAF]  }
0x2f: {  	lr =	sadd.s32 s0, s3;
	s0 =	sld [smem:$0x3FA6]  }
0x30: {  	s3 =	sld [smem:$0x3FA9]  }
0x31: {  	[smem:$0x3FB2] =	sst s10  }
0x32: {  	s10 =	sld [smem:$0x3FB0];
	_ =	sdelay $0x3  }
0x33: {  	p0 =	seq.s32 s10, $0x1;
	s10 =	sld [smem:$0x3FB2];
	_ =	sdelay $0x3  }
0x34: {  	[smem:$0x3FB2] =	sst s10  }
0x35: {  	s10 =	sld [smem:$0x3FB1];
	_ =	sdelay $0x3  }
0x36: {  	p1 =	seq.s32 s10, $0x1;
	s10 =	sld [smem:$0x3FB2];
	_ =	sdelay $0x3  }
0x37: {  	[smem:$0x3FB2] =	sst s10  }
0x38: {  	s10 =	sld [smem:$0x3FB3]  }
0x39: {  	_ = 	snop;
	(pc) =	sbr.ind lr, $3  }
0x3a: {  	_ = 	snop  }
0x3b: {  	_ = 	snop  }
0x3c: {  	p2 =	seq.s32 s10, $0x1;
	s10 =	sld [smem:$0x3FB2]  }
0x3d: {  	_ =	shalt  }
0x3e: {  	_ =	shalt  }
0x3f: {  	_ =	shalt  }
0x40: {  	_ =	shalt  }
0x41: {  	_ =	shalt  }
0x42: {  	_ =	shalt  }
0x43: {  	_ =	shalt  }
0x44: {  	_ =	shalt  }
0x45: {  	_ =	shalt  }
0x46: {  	_ =	shalt  }
0x47: {  	_ =	shalt  }
0x48: {  	_ =	shalt  }
0x49: {  	_ =	shalt  }
0x4a: {  	_ =	shalt  }
0x4b: {  	_ =	shalt  }
0x4c: {  	_ =	shalt  }
0x4d: {  	_ =	shalt  }
0x4e: {  	_ =	shalt  }
0x4f: {  	_ =	shalt  }
0x50: {  	_ =	shalt  }
0x51: {  	_ =	shalt  }
0x52: {  	_ =	shalt  }
0x53: {  	_ =	shalt  }
0x54: {  	_ =	shalt  }
0x55: {  	_ =	shalt  }
0x56: {  	_ =	shalt  }
0x57: {  	_ =	shalt  }
0x58: {  	_ =	shalt  }
0x59: {  	_ =	shalt  }
0x5a: {  	_ =	shalt  }
0x5b: {  	_ =	shalt  }
0x5c: {  	_ =	shalt  }
0x5d: {  	_ =	shalt  }
0x5e: {  	_ =	shalt  }
0x5f: {  	_ =	shalt  }
0x60: {  	_ =	shalt  }
0x61: {  	_ =	shalt  }
0x62: {  	_ =	shalt  }
0x63: {  	_ =	shalt  }
0x64: {  	_ =	shalt  }
0x65: {  	_ =	shalt  }
0x66: {  	_ =	shalt  }
0x67: {  	_ =	shalt  }
0x68: {  	_ =	shalt  }
0x69: {  	_ =	shalt  }
0x6a: {  	_ =	shalt  }
0x6b: {  	_ =	shalt  }
0x6c: {  	_ =	shalt  }
0x6d: {  	_ =	shalt  }
0x6e: {  	_ =	shalt  }
0x6f: {  	_ =	shalt  }
0x70: {  	_ =	shalt  }
0x71: {  	_ =	shalt  }
0x72: {  	_ =	shalt  }
0x73: {  	_ =	shalt  }
0x74: {  	_ =	shalt  }
0x75: {  	_ =	shalt  }
0x76: {  	_ =	shalt  }
0x77: {  	_ =	shalt  }
0x78: {  	_ =	shalt  }
0x79: {  	_ =	shalt  }
0x7a: {  	_ =	shalt  }
0x7b: {  	_ =	shalt  }
0x7c: {  	_ =	shalt  }
0x7d: {  	_ =	shalt  }
0x7e: {  	_ =	shalt  }
0x7f: {  	_ =	shalt  }
0x80: {  	_ =	shalt  }
0x81: {  	_ =	shalt  }
0x82: {  	_ =	shalt  }
0x83: {  	_ =	shalt  }
0x84: {  	_ =	shalt  }
0x85: {  	_ =	shalt  }
0x86: {  	_ =	shalt  }
0x87: {  	_ =	shalt  }
.Lfunc_end0:
.L_simem_size_0:
called_computation_lowered:
.L_overlay_start_0:
0x88: {  	s2 =	sld [smem:$0x3FD9]  }
0x89: {  	s3 =	sld [smem:$0x3FFE];
	_ =	sdelay $0x1  }
0x8a: {  	s1 =	srdreg.scid  }
0x8b: {  	s0 =	sand.u32 $0x1, s1  }
0x8c: {  	s17 =	sshll.u32 s0, $0xA;
	s2 =	sadd.s32 s3, s2  }
0x8d: {  	s2 =	sadd.s32 s2, s17  }
0x8e: {  	[smem:$0x3FBE] =	sst s2  }
0x8f: {  	_ = 	snop  }
0x90: {  	s2 =	sld [smem:$0x3FD0];
	(tm) =	ssettm $0x1  }
0x91: {  	s18 =	sld [smem:$0x3FFB];
	_ =	sdelay $0x3  }
0x92: {  	_ =	strace s18  }
0x93: {  	s3 =	sld [smem:$0x3FFC];
	_ =	sdelay $0x3  }
0x94: {  	_ =	strace s3  }
0x95: {  	s3 =	sld [smem:$0x3FFD];
	_ =	sdelay $0x3  }
0x96: {  	_ =	strace s3  }
0x97: {  	_ =	strace $0x8FFFFFFF  }
0x98: {  	s19 =	sld [smem:$0x3FDB];
	_ =	sdelay $0x1  }
0x99: {  	s4 =	simm.s32 $_scs_section_size  }
0x9a: {  	s5 =	simm.s32 $_size__tile_overlayer_lowered;
	s6 =	simm.s32 $_tile_overlayer_lowered  }
0x9b: {  	s22 =	simm.s32 $0x1BFF;
	s21 =	sshll.u32 s6, $0x1;
	s3 =	sadd.s32 s4, s19  }
0x9c: {  	s7 =	simm.s32 $0x0;
	s20 =	sshll.u32 s5, $0x1;
	s5 =	sadd.s32 s21, s3  }
0x9d: {  	[timem:s7], [sflag:s22] =	dma.local [hbm:s5], s20  }
0x9e: {  	_ =	swait.ge [sflag:s22], s20  }
0x9f: {  	s4 =	ssub.s32 $0x0, s20;
	[sflag:s22] =	ssyncset.done $0x0  }
0xa0: {  	[sflag:s22] =	ssyncadd.s32 s4;
	_ =	sdelay $0x1  }
0xa1: {  	s23 =	simm.s32 $0x1B8B  }
0xa2: {  	_ =	swait.ge [sflag:s23], $0x1  }
0xa3: {  	[sflag:s23] =	ssyncset.done $0x0  }
0xa4: {  	s25 =	simm.s32 $0x1B8E;
	s24 =	sld [smem:$0x3FFE];
	[sflag:s23] =	ssyncadd.s32 $0xFFFFFFFF  }
0xa5: {  	s26 =	simm.s32 $execute0_lowered;
	[smem:$0x3FD2] =	sst s25  }
0xa6: {  	s5 =	sshll.u32 s26, $0x1;
	_ =	strace $0x80000046;
	[dreg:$0x1] =	wrdreg $0xFFFFFFFF  }
0xa7: {  	s28 =	simm.s32 $_size_execute0_lowered;
	s3 =	sadd.s32 s3, s5;
	[dreg:$0x0] =	wrdreg $0x0  }
0xa8: {  	s5 =	sshll.u32 s28, $0x1;
	[dreg:$0x2] =	wrdreg s3  }
0xa9: {  	[dreg:$0x3] =	wrdreg s5  }
0xaa: {  	[dreg:$0x4] =	wrdreg $0xC0  }
0xab: {  	_ =	task [dreg:s7], $0x5FFFF  }
0xac: {  	[dreg:$0x1] =	wrdreg $0xFFFFFFFF  }
0xad: {  	[dreg:$0x0] =	wrdreg $0x60  }
0xae: {  	[dreg:$0x2] =	wrdreg s24  }
0xaf: {  	[dreg:$0x3] =	wrdreg s2  }
0xb0: {  	[dreg:$0x4] =	wrdreg $0x7B000  }
0xb1: {  	[dreg:$0x5] =	wrdreg $0x9  }
0xb2: {  	_ =	task.clear_ibuf [dreg:s7], $0x6FFFF;
	_ =	strace $0x90000046  }
0xb3: {  	s29 =	simm.s32 $0x9;
	_ =	strace $0x80000048  }
0xb4: {  	_ =	swait.ge [sflag:s29], $0x1  }
0xb5: {  	[sflag:s29] =	ssyncadd.s32 $0xFFFFFFFF  }
0xb6: {  	_ =	strace $0x90000048  }
0xb7: {  	_ =	sfence  }
0xb8: {  	s30 =	sld [smem:$0x0];
	_ =	sdelay $0x2  }
0xb9: {  	s31 =	sshll.u32 s1, $0xD;
	s1 =	sshrl.u32 s1, $0x2  }
0xba: {  	s3 =	sand.u32 $0x4000, s31;
	s1 =	sadd.s32 s1, s30  }
0xbb: {  	s0 =	sor.u32 s3, s0;
	s1 =	sshll.u32 s1, $0x11  }
0xbc: {  	s0 =	sor.u32 s1, s0  }
0xbd: {  	s0 =	sadd.s32 $0x8F2B, s0  }
0xbe: {  	[sflag:s0] =	ssyncadd.remote.s32 $0x1  }
0xbf: {  	_ =	sfence.sel $0xFFFF  }
0xc0: {  	[dreg:$0x0] =	wrdreg $0xFFFFFFFF;
	(pc) =	sbr.abs _section_cstart, $3  }
0xc1: {  	[dreg:$0x1] =	wrdreg $0xFFFFFFFF  }
0xc2: {  	_ =	task.clear_ibuf [dreg:s7], $0x2FFFF;
	_ =	strace $0x9FFFFFFF  }
0xc3: {  	(tm) =	ssettm $0x7FFFFFFF  }
tec
execute0_lowered:
.L_overlay_start_1:
0x0: {  	(tag) =	ssettag $0x1  }
0x1: {  	s0 =	rddreg [dreg:$0x0]  }
0x2: {  	s4 =	rddreg [dreg:$0x1]  }
0x3: {  	s1 =	rddreg [dreg:$0x2];
	s2 =	simm.s32 $0x0;
	s7 =	srdreg.scid  }
0x4: {  	s17 =	stileid.u32;
	s18 =	simm.s32 $0x300;
	s20 =	simm.s32 $0x6  }
0x5: {  	s28 =	simm.s32 $0x2B00;
	s29 =	simm.s32 $0x4;
	s30 =	simm.s32 $0x0  }
0x6: {  	[smem:$0x7FF] =	sst s2;
	s3 =	sadd.s32 $0x22200, s0;
	s13 =	sadd.s32 $0x2E00, s0  }
0x7: {  	s5 =	sadd.s32 $0x4A200, s0;
	s6 =	sadd.s32 $0x4CA00, s0;
	s10 =	smul.u32 $0x50000, s17  }
0x8: {  	s11 =	sand.u32 $0x1, s7;
	s23 =	sshll.u32 s17, $0x7;
	s16 =	smul.u32 $0x7D00, s17  }
0x9: {  	s24 =	sshll.u32 s17, $0x6;
	s26 =	smul.u32 $0x2800, s17;
	_ =	strace $0x80000047  }
0xa: {  	s7 =	ssub.s32 $0x2, s11;
	s8 =	sshll.u32 s11, $0x4;
	s15 =	smul.u32 $0x7D000, s11  }
0xb: {  	p0 =	seq.s32 s11, $0x1;
	s9 =	sshrl.u32 s7, $0x1;
	s8 =	sor.u32 s17, s8  }
0xc: {  	s22 =	sshrl.u32 s10, $0x2;
	s10 =	sand.u32 $0x380, s23;
	s17 =	simm.s32 $0x50  }
0xd: {  	s23 =	simm.s32 $0x80;
	s12 =	ssub.s32 s7, s9;
	s21 =	smul.u32 $0x7D00, s8  }
0xe: {  	s8 =	sshrl.u32 s8, $0x3;
	s14 =	sadd.s32 s22, s1;
	s25 =	sadd.s32 s16, s15  }
0xf: {  	s15 =	simm.s32 $0x7;
	s22 =	simm.s32 $0x5300;
	s8 =	smul.u32 $0x14000, s8  }
0x10: {  	s16 =	sadd.s32 $0x200, s25;
	s11 =	smax.u32 s12, $0x1;
	s14 =	sshrl.u32 s14, $0x3  }
0x11: {  	s25 =	simm.s32 $0x5;
	s7 =	sshrl.u32 s21, $0x3;
	s8 =	sor.u32 s10, s8  }
.Ltmp0:
0x12: {  	s31 =	sshrl.u32 s16, $0x3;
	s10 =	sshrl.u32 s8, $0x3;
	(pc) =	sbr.rel .LBB2_1-.Ltmp0, $4  }
0x13: {  	s16 =	simm.s32 $0x1BB00;
	s10 =	sadd.s32 s4, s10;
	s4 =	simm.s32 $0x75000  }
0x14: {  	s21 =	simm.s32 $0x280;
	s7 =	sadd.s32 s13, s7;
	s4 =	simm.s32 @!p0 $0x4D000  }
0x15: {  	s13 =	sadd.s32 s31, s13;
	s8 =	sor.u32 $0x1C07, s24;
	s0 =	sadd.s32 s4, s0  }
0x16: {  	v0 =	vimm.f32 $1.000000000e+00;
	s9 =	sadd.s32 $0x20, s7;
	s12 =	sadd.s32 s0, s26;
	s26 =	simm.s32 $0x180  }
.LBB2_8:
0x17: {  	s0 =	simm.s32 $0x400  }
0x18: {  	[hbm4b:s10+s23] =	stream.strided.scatter [tilespmem:s16], [sflag:$0x7], $0x2800, s0, s23, $0x38;
	[tilespmem:$0x1E300] =	vst v63  }
0x19: {  	_ =	swait.ge [sflag:s15], $0x2800  }
0x1a: {  	s30 =	sadd.s32 $0x1, s30;
	[sflag:s15] =	ssyncset.done $0x0  }
0x1b: {  	p0 =	sne.s32 s30, s11;
	[sflag:s15] =	ssyncadd.s32 $0xFFFFD800  }
.Ltmp1:
0x1c: {  	[bflag:$0x0] =	sbarrier.arrive $0xFFFF;
	(pc) =	sbr.rel @!p0 .LBB2_9-.Ltmp1, $4  }
0x1d: {  	[hbm:s12], [sflag:s8] =	dma.local [spmem:s14], $0x2800  }
0x1e: {  	_ =	swait.ge [sflag:s15], $0x2800  }
0x1f: {  	[sflag:s15] =	ssyncset.done $0x0  }
0x20: {  	[sflag:s15] =	ssyncadd.s32 $0xFFFFD800  }
.LBB2_1:
0x21: {  	[spmem:s14], [sflag:s8] =	dma.local [hbm:s5], $0x2800  }
0x22: {  	_ =	swait.ge [sflag:s15], $0x2800  }
0x23: {  	[sflag:s15] =	ssyncset.done $0x0  }
0x24: {  	[sflag:s15] =	ssyncadd.s32 $0xFFFFD800  }
0x25: {  	[tilespmem:s16], [sflag:$0x7] =	stream.linear.gather [hbm4b:s6+s2], $0x2800, $0x38;
	[tilespmem:$0x1E300] =	vst v63  }
0x26: {  	_ =	swait.ge [sflag:s15], $0x2800  }
0x27: {  	[sflag:s15] =	ssyncset.done $0x0  }
0x28: {  	[sflag:s15] =	ssyncadd.s32 $0xFFFFD800  }
0x29: {  	[bflag:$0x0] =	sbarrier.arrive $0xFFFF  }
0x2a: {  	[tilespmem:s2], [sflag:$0x7] =	stream.linear.gather [hbm4b:s7+s2], $0x100, $0x38;
	[tilespmem:$0x1E300] =	vst v63  }
0x2b: {  	_ =	swait.ge [sflag:s15], $0x100  }
0x2c: {  	[sflag:s15] =	ssyncset.done $0x0  }
.Ltmp2:
0x2d: {  	[sflag:s15] =	ssyncadd.s32 $0xFFFFFF00;
	(pc) =	sbr.rel .LBB2_2-.Ltmp2, $4  }
0x2e: {  	[tilespmem:s18], [sflag:$0x4] =	stream.indirect.gather [hbm4b:s3+s17], $0x80, s2, s17, $0xb8;
	[tilespmem:$0x1E300] =	vst v63  }
0x2f: {  	s0 =	simm.s32 $0x100  }
0x30: {  	[tilespmem:s0], [sflag:$0x2] =	stream.linear.gather [hbm4b:s9+s2], $0x100, $0x38;
	[tilespmem:$0x1E300] =	vst v63  }
0x31: {  	s31 =	smov.u32 s13;
	s0 =	simm.s32 $0x0  }
.LBB2_6:
0x32: {  	p0 =	seq.s32 s0, $0x7C  }
0x33: {  	s4 =	simm.s32 @!p0 $0x1  }
0x34: {  	_ =	swait.ge @!p0 [sflag:s4], $0x100  }
0x35: {  	s19 =	simm.s32 @!p0 $0x0;
	[sflag:s4] =	ssyncset.done @!p0 $0x0  }
0x36: {  	s24 =	simm.s32 @!p0 $0x300;
	[sflag:s4] =	ssyncadd.s32 @!p0 $0xFFFFFF00;
	s4 =	simm.s32 @!p0 $0x50  }
0x37: {  	[tilespmem:s24], [sflag:$0x4] =	stream.indirect.gather @!p0 [hbm4b:s3+s4], $0x80, s19, s4, $0xb8;
	[tilespmem:$0x1E300] =	vst v63  }
0x38: {  	_ =	swait.ge [sflag:s20], $0x2800  }
0x39: {  	[sflag:s20] =	ssyncset.done $0x0  }
0x3a: {  	[sflag:s20] =	ssyncadd.s32 $0xFFFFD800  }
0x3b: {  	[spmem:s1] =	stream.indirect.scatter.add.f32 [tilespmem:s22], [sflag:$0x7], $0x80, s21, s17, $0xb8;
	[tilespmem:$0x1E300] =	vst v63  }
0x3c: {  	_ =	swait.ge [sflag:s15], $0x2800  }
0x3d: {  	[sflag:s15] =	ssyncset.done $0x0  }
0x3e: {  	[sflag:s15] =	ssyncadd.s32 $0xFFFFD800  }
0x3f: {  	v1 =	vld [tilespmem:$0x280];
	_ =	sdelay $0x7  }
0x40: {  	[tilespmem:v1+s16+$0x0] =	vst.idx.add.f32.msk $0xffff, v0  }
0x41: {  	v1 =	vld [tilespmem:$0x290];
	_ =	sdelay $0x7  }
0x42: {  	[tilespmem:v1+s16+$0x0] =	vst.idx.add.f32.msk $0xffff, v0  }
0x43: {  	v1 =	vld [tilespmem:$0x2A0];
	_ =	sdelay $0x7  }
0x44: {  	[tilespmem:v1+s16+$0x0] =	vst.idx.add.f32.msk $0xffff, v0  }
0x45: {  	v1 =	vld [tilespmem:$0x2B0];
	_ =	sdelay $0x7  }
0x46: {  	[tilespmem:v1+s16+$0x0] =	vst.idx.add.f32.msk $0xffff, v0  }
0x47: {  	v1 =	vld [tilespmem:$0x2C0];
	_ =	sdelay $0x6  }
0x48: {  	p0 =	sgt.u32 s0, $0x7A  }
0x49: {  	s4 =	simm.s32 @!p0 $0x0;
	s19 =	simm.s32 @!p0 $0x100;
	[tilespmem:v1+s16+$0x0] =	vst.idx.add.f32.msk $0xffff, v0  }
0x4a: {  	[tilespmem:s19], [sflag:$0x2] =	stream.linear.gather @!p0 [hbm4b:s31+s4], $0x100, $0x38;
	[tilespmem:$0x1E300] =	vst v63  }
.LBB2_7:
0x4b: {  	s0 =	sadd.s32 $0x1, s0  }
0x4c: {  	p0 =	sne.s32 s0, $0x7D  }
.Ltmp3:
0x4d: {  	_ = 	snop;
	(pc) =	sbr.rel @!p0 .LBB2_8-.Ltmp3, $2  }
0x4e: {  	_ =	sdelay $0x2  }
0x4f: {  	s31 =	sadd.s32 $0x20, s31  }
.LBB2_2:
0x50: {  	s4 =	smul.u32 $0xAB, s0;
	_ =	sdelay $0x1  }
0x51: {  	s4 =	sshrl.u32 s4, $0x9  }
0x52: {  	s4 =	sand.u32 $0x7F, s4  }
0x53: {  	s4 =	smul.u32 $0x3, s4;
	_ =	sdelay $0x1  }
0x54: {  	s4 =	ssub.s32 s0, s4  }
0x55: {  	s4 =	sand.u32 $0xFF, s4  }
0x56: {  	p0 =	seq.s32 s4, $0x2  }
.Ltmp4:
0x57: {  	_ = 	snop;
	(pc) =	sbr.rel @p0 .LBB2_6-.Ltmp4, $1  }
0x58: {  	_ =	sdelay $0x3  }
0x59: {  	p0 =	seq.s32 s4, $0x1  }
.Ltmp5:
0x5a: {  	_ = 	snop;
	(pc) =	sbr.rel @!p0 .LBB2_4-.Ltmp5, $1  }
0x5b: {  	_ =	sdelay $0x3  }
0x5c: {  	p0 =	seq.s32 s0, $0x7C  }
0x5d: {  	s4 =	simm.s32 @!p0 $0x3  }
0x5e: {  	_ =	swait.ge @!p0 [sflag:s4], $0x100  }
0x5f: {  	s19 =	simm.s32 @!p0 $0x200;
	[sflag:s4] =	ssyncset.done @!p0 $0x0  }
0x60: {  	s24 =	simm.s32 @!p0 $0x5300;
	[sflag:s4] =	ssyncadd.s32 @!p0 $0xFFFFFF00;
	s4 =	simm.s32 @!p0 $0x50  }
0x61: {  	[tilespmem:s24], [sflag:$0x6] =	stream.indirect.gather @!p0 [hbm4b:s3+s4], $0x80, s19, s4, $0xb8;
	[tilespmem:$0x1E300] =	vst v63  }
0x62: {  	_ =	swait.ge [sflag:s25], $0x2800  }
0x63: {  	[sflag:s25] =	ssyncset.done $0x0  }
0x64: {  	[sflag:s25] =	ssyncadd.s32 $0xFFFFD800  }
0x65: {  	[spmem:s1] =	stream.indirect.scatter.add.f32 [tilespmem:s28], [sflag:$0x7], $0x80, s26, s17, $0xb8;
	[tilespmem:$0x1E300] =	vst v63  }
0x66: {  	_ =	swait.ge [sflag:s15], $0x2800  }
0x67: {  	[sflag:s15] =	ssyncset.done $0x0  }
0x68: {  	[sflag:s15] =	ssyncadd.s32 $0xFFFFD800  }
0x69: {  	v1 =	vld [tilespmem:$0x180];
	_ =	sdelay $0x7  }
0x6a: {  	[tilespmem:v1+s16+$0x0] =	vst.idx.add.f32.msk $0xffff, v0  }
0x6b: {  	v1 =	vld [tilespmem:$0x190];
	_ =	sdelay $0x7  }
0x6c: {  	[tilespmem:v1+s16+$0x0] =	vst.idx.add.f32.msk $0xffff, v0  }
0x6d: {  	v1 =	vld [tilespmem:$0x1A0];
	_ =	sdelay $0x7  }
0x6e: {  	[tilespmem:v1+s16+$0x0] =	vst.idx.add.f32.msk $0xffff, v0  }
0x6f: {  	v1 =	vld [tilespmem:$0x1B0];
	_ =	sdelay $0x7  }
0x70: {  	[tilespmem:v1+s16+$0x0] =	vst.idx.add.f32.msk $0xffff, v0  }
0x71: {  	v1 =	vld [tilespmem:$0x1C0];
	_ =	sdelay $0x4  }
.Ltmp6:
0x72: {  	_ = 	snop;
	(pc) =	sbr.rel .LBB2_7-.Ltmp6, $4  }
0x73: {  	_ = 	snop  }
0x74: {  	p0 =	sgt.u32 s0, $0x7A  }
0x75: {  	s4 =	simm.s32 @!p0 $0x0;
	[tilespmem:v1+s16+$0x0] =	vst.idx.add.f32.msk $0xffff, v0  }
0x76: {  	[tilespmem:s4], [sflag:$0x1] =	stream.linear.gather @!p0 [hbm4b:s31+s4], $0x100, $0x38;
	[tilespmem:$0x1E300] =	vst v63  }
.LBB2_4:
0x77: {  	p0 =	seq.s32 s0, $0x7C  }
0x78: {  	s4 =	simm.s32 @!p0 $0x2  }
0x79: {  	_ =	swait.ge @!p0 [sflag:s4], $0x100  }
0x7a: {  	s19 =	simm.s32 @!p0 $0x100;
	[sflag:s4] =	ssyncset.done @!p0 $0x0  }
0x7b: {  	s24 =	simm.s32 @!p0 $0x2B00;
	[sflag:s4] =	ssyncadd.s32 @!p0 $0xFFFFFF00;
	s4 =	simm.s32 @!p0 $0x50  }
0x7c: {  	[tilespmem:s24], [sflag:$0x5] =	stream.indirect.gather @!p0 [hbm4b:s3+s4], $0x80, s19, s4, $0xb8;
	[tilespmem:$0x1E300] =	vst v63  }
0x7d: {  	_ =	swait.ge [sflag:s29], $0x2800  }
0x7e: {  	[sflag:s29] =	ssyncset.done $0x0  }
0x7f: {  	[sflag:s29] =	ssyncadd.s32 $0xFFFFD800  }
0x80: {  	[spmem:s1] =	stream.indirect.scatter.add.f32 [tilespmem:s18], [sflag:$0x7], $0x80, s23, s17, $0xb8;
	[tilespmem:$0x1E300] =	vst v63  }
0x81: {  	_ =	swait.ge [sflag:s15], $0x2800  }
0x82: {  	[sflag:s15] =	ssyncset.done $0x0  }
0x83: {  	[sflag:s15] =	ssyncadd.s32 $0xFFFFD800  }
0x84: {  	v1 =	vld [tilespmem:$0x80];
	_ =	sdelay $0x7  }
0x85: {  	[tilespmem:v1+s16+$0x0] =	vst.idx.add.f32.msk $0xffff, v0  }
0x86: {  	v1 =	vld [tilespmem:$0x90];
	_ =	sdelay $0x7  }
0x87: {  	[tilespmem:v1+s16+$0x0] =	vst.idx.add.f32.msk $0xffff, v0  }
0x88: {  	v1 =	vld [tilespmem:$0xA0];
	_ =	sdelay $0x7  }
0x89: {  	[tilespmem:v1+s16+$0x0] =	vst.idx.add.f32.msk $0xffff, v0  }
0x8a: {  	v1 =	vld [tilespmem:$0xB0];
	_ =	sdelay $0x7  }
0x8b: {  	[tilespmem:v1+s16+$0x0] =	vst.idx.add.f32.msk $0xffff, v0  }
0x8c: {  	v1 =	vld [tilespmem:$0xC0];
	_ =	sdelay $0x4  }
.Ltmp7:
0x8d: {  	_ = 	snop;
	(pc) =	sbr.rel .LBB2_7-.Ltmp7, $4  }
0x8e: {  	_ = 	snop  }
0x8f: {  	p0 =	sgt.u32 s0, $0x7A  }
0x90: {  	s4 =	simm.s32 @!p0 $0x0;
	s19 =	simm.s32 @!p0 $0x200;
	[tilespmem:v1+s16+$0x0] =	vst.idx.add.f32.msk $0xffff, v0  }
0x91: {  	[tilespmem:s19], [sflag:$0x3] =	stream.linear.gather @!p0 [hbm4b:s31+s4], $0x100, $0x38;
	[tilespmem:$0x1E300] =	vst v63  }
.LBB2_9:
0x92: {  	_ =	sfence.sel $0x180000  }
0x93: {  	[bflag:$0x0] =	sbarrier.arrive $0xFFFF  }
0x94: {  	_ =	strace $0x90000047  }
0x95: {  	s0 =	stileid.u32;
	[bflag:$0x2] =	sbarrier.arrive $0xFFFF  }
0x96: {  	p0 =	sne.s32 s0, $0x0;
	s0 =	rddreg [dreg:$0x3]  }
0x97: {  	s0 =	sadd.s32 @!p0 $0x100000, s0  }
0x98: {  	[sflag:s0] =	ssyncadd.tile.s32 @!p0 $0x1;
	_ =	shalt  }
.Lfunc_end2:
_tile_overlayer_lowered:
.L_overlay_start_2:
0x99: {  	(tag) =	ssettag $0x2  }
0x9a: {  	s0 =	rddreg [dreg:$0x0];
	s2 =	stileid.u32  }
0x9b: {  	s1 =	rddreg [dreg:$0x1];
	p0 =	sne.s32 s2, $0x0  }
0x9c: {  	s3 =	rddreg [dreg:$0x2];
	[bflag:$0x3] =	sbarrier.arrive $0xFFFF;
	s2 =	simm.s32 @!p0 $0x1C07  }
0x9d: {  	[timem:s3], [sflag:s2] =	dma.local @!p0 [hbm:s0], s1  }
0x9e: {  	s0 =	simm.s32 @!p0 $0x7  }
0x9f: {  	_ =	swait.ge @!p0 [sflag:s0], s1  }
0xa0: {  	s1 =	ssub.s32 @!p0 $0x0, s1;
	[sflag:s0] =	ssyncset.done @!p0 $0x0  }
0xa1: {  	[sflag:s0] =	ssyncadd.s32 @!p0 s1  }
0xa2: {  	[bflag:$0x3] =	sbarrier.arrive $0xFFFF  }
0xa3: {  	_ =	shalt  }

// kernel: kernel.9.cloned.1.call-start
scs
__scs_entry_jumppad:
0x0: {  	(pc) =	sbr.rel $0x88, $3  }
0x1: {  	(tag) =	ssettag $0x0;
	lr =	simm.s32 $0x1  }
0x2: {  	[smem:$0x3F97] =	sst lr;
	_ =	strace $0xD0000000  }
0x3: {  	_ = 	snop  }
0x4: {  	_ = 	snop  }
0x5: {  	_ = 	snop  }
0x6: {  	_ = 	snop  }
0x7: {  	_ = 	snop  }
__scs_overlays_trampoline_lowered:
0x8: {  	[smem:$0x3FA6] =	sst s0  }
0x9: {  	[smem:$0x3FA7] =	sst s1  }
0xa: {  	[smem:$0x3FA8] =	sst s2  }
0xb: {  	[smem:$0x3FA9] =	sst s3  }
0xc: {  	[smem:$0x3FAA] =	sst s4  }
0xd: {  	[smem:$0x3FAB] =	sst s5  }
0xe: {  	[smem:$0x3FAC] =	sst s6  }
0xf: {  	[smem:$0x3FAD] =	sst s7  }
0x10: {  	[smem:$0x3FAE] =	sst s8  }
0x11: {  	[smem:$0x3FAF] =	sst s9;
	s0 =	simm.s32 @!p0 $0x0  }
0x12: {  	s1 =	sld [smem:$0x3F95];
	s0 =	simm.s32 @p0 $0x1  }
0x13: {  	[smem:$0x3FB0] =	sst s0;
	s0 =	simm.s32 @!p1 $0x0  }
0x14: {  	s2 =	sld [smem:$0x3F94];
	s0 =	simm.s32 @p1 $0x1  }
0x15: {  	[smem:$0x3FB1] =	sst s0;
	s0 =	simm.s32 @!p2 $0x0  }
0x16: {  	s3 =	sld [smem:$0x3FDB];
	s0 =	simm.s32 @p2 $0x1  }
0x17: {  	s4 =	simm.s32 $0x1BF5;
	[smem:$0x3FB3] =	sst s0  }
0x18: {  	s0 =	sld [smem:$0x3F96];
	_ =	swait.ge [sflag:s4], $0x0  }
0x19: {  	s7 =	sld [smem:$0x3F97]  }
0x1a: {  	s8 =	sadd.s32 $0xFFFFE003, lr  }
0x1b: {  	s9 =	sadd.s32 $0xFFFFFEF7, lr;
	s5 =	simm.s32 $0xFFFFFFFF;
	p2 =	slt.u32 s8, $0xFFFFF086  }
0x1c: {  	p1 =	slt.u32 s9, $0xF7A;
	s5 =	simm.s32 @!p2 $0x0  }
0x1d: {  	s5 =	simm.s32 @p1 $0x1;
	p0 =	seq.s32 s7, s2  }
0x1e: {  	s7 =	smul.u32 @!p0 $0xF7A, s2;
	p2 =	seq.s32 @!p0 s5, $0x0  }
0x1f: {  	s9 =	smul.u32 $0xF7A, s1;
	s8 =	simm.s32 @!p0 $0x1BF5;
	p2 =	por !p2, p0  }
0x20: {  	[sflag:s8] =	ssyncset.s32 @!p0 $0xFFFFF086;
	s6 =	sadd.s32 @!p0 s3, s7;
	s7 =	simm.s32 @!p0 $0x108  }
0x21: {  	s3 =	sadd.s32 s3, s9;
	s6 =	sadd.s32 @!p0 $0x88, s6;
	s7 =	simm.s32 @p2 $0x1082  }
0x22: {  	[simem:s7], [sflag:s8] =	dma.local @!p0 [hbm:s6], $0xF7A  }
0x23: {  	s9 =	sor.u32 $0xD0000000, s2;
	s6 =	simm.s32 $0x108;
	_ =	swait.ge @!p0 [sflag:s8], $0x0  }
0x24: {  	s3 =	sadd.s32 $0x88, s3;
	s6 =	simm.s32 @!p1 $0x1082;
	[sflag:s4] =	ssyncset.s32 $0xFFFFF086  }
0x25: {  	[simem:s6], [sflag:s4] =	dma.local [hbm:s3], $0xF7A  }
0x26: {  	[smem:$0x3F97] =	sst s1;
	(tag) =	ssettag s2;
	_ =	strace s9  }
0x27: {  	s1 =	sld [smem:$0x3FA7]  }
0x28: {  	s2 =	sld [smem:$0x3FA8]  }
0x29: {  	s4 =	sld [smem:$0x3FAA]  }
0x2a: {  	p0 =	seq.s32 s5, $0x0;
	s5 =	sld [smem:$0x3FAB]  }
0x2b: {  	s6 =	sld [smem:$0x3FAC]  }
0x2c: {  	s7 =	sld [smem:$0x3FAD]  }
0x2d: {  	s3 =	simm.s32 $0x108;
	s8 =	sld [smem:$0x3FAE]  }
0x2e: {  	s3 =	simm.s32 @!p0 $0x1082;
	s9 =	sld [smem:$0x3FAF]  }
0x2f: {  	lr =	sadd.s32 s0, s3;
	s0 =	sld [smem:$0x3FA6]  }
0x30: {  	s3 =	sld [smem:$0x3FA9]  }
0x31: {  	[smem:$0x3FB2] =	sst s10  }
0x32: {  	s10 =	sld [smem:$0x3FB0];
	_ =	sdelay $0x3  }
0x33: {  	p0 =	seq.s32 s10, $0x1;
	s10 =	sld [smem:$0x3FB2];
	_ =	sdelay $0x3  }
0x34: {  	[smem:$0x3FB2] =	sst s10  }
0x35: {  	s10 =	sld [smem:$0x3FB1];
	_ =	sdelay $0x3  }
0x36: {  	p1 =	seq.s32 s10, $0x1;
	s10 =	sld [smem:$0x3FB2];
	_ =	sdelay $0x3  }
0x37: {  	[smem:$0x3FB2] =	sst s10  }
0x38: {  	s10 =	sld [smem:$0x3FB3]  }
0x39: {  	_ = 	snop;
	(pc) =	sbr.ind lr, $3  }
0x3a: {  	_ = 	snop  }
0x3b: {  	_ = 	snop  }
0x3c: {  	p2 =	seq.s32 s10, $0x1;
	s10 =	sld [smem:$0x3FB2]  }
0x3d: {  	_ =	shalt  }
0x3e: {  	_ =	shalt  }
0x3f: {  	_ =	shalt  }
0x40: {  	_ =	shalt  }
0x41: {  	_ =	shalt  }
0x42: {  	_ =	shalt  }
0x43: {  	_ =	shalt  }
0x44: {  	_ =	shalt  }
0x45: {  	_ =	shalt  }
0x46: {  	_ =	shalt  }
0x47: {  	_ =	shalt  }
0x48: {  	_ =	shalt  }
0x49: {  	_ =	shalt  }
0x4a: {  	_ =	shalt  }
0x4b: {  	_ =	shalt  }
0x4c: {  	_ =	shalt  }
0x4d: {  	_ =	shalt  }
0x4e: {  	_ =	shalt  }
0x4f: {  	_ =	shalt  }
0x50: {  	_ =	shalt  }
0x51: {  	_ =	shalt  }
0x52: {  	_ =	shalt  }
0x53: {  	_ =	shalt  }
0x54: {  	_ =	shalt  }
0x55: {  	_ =	shalt  }
0x56: {  	_ =	shalt  }
0x57: {  	_ =	shalt  }
0x58: {  	_ =	shalt  }
0x59: {  	_ =	shalt  }
0x5a: {  	_ =	shalt  }
0x5b: {  	_ =	shalt  }
0x5c: {  	_ =	shalt  }
0x5d: {  	_ =	shalt  }
0x5e: {  	_ =	shalt  }
0x5f: {  	_ =	shalt  }
0x60: {  	_ =	shalt  }
0x61: {  	_ =	shalt  }
0x62: {  	_ =	shalt  }
0x63: {  	_ =	shalt  }
0x64: {  	_ =	shalt  }
0x65: {  	_ =	shalt  }
0x66: {  	_ =	shalt  }
0x67: {  	_ =	shalt  }
0x68: {  	_ =	shalt  }
0x69: {  	_ =	shalt  }
0x6a: {  	_ =	shalt  }
0x6b: {  	_ =	shalt  }
0x6c: {  	_ =	shalt  }
0x6d: {  	_ =	shalt  }
0x6e: {  	_ =	shalt  }
0x6f: {  	_ =	shalt  }
0x70: {  	_ =	shalt  }
0x71: {  	_ =	shalt  }
0x72: {  	_ =	shalt  }
0x73: {  	_ =	shalt  }
0x74: {  	_ =	shalt  }
0x75: {  	_ =	shalt  }
0x76: {  	_ =	shalt  }
0x77: {  	_ =	shalt  }
0x78: {  	_ =	shalt  }
0x79: {  	_ =	shalt  }
0x7a: {  	_ =	shalt  }
0x7b: {  	_ =	shalt  }
0x7c: {  	_ =	shalt  }
0x7d: {  	_ =	shalt  }
0x7e: {  	_ =	shalt  }
0x7f: {  	_ =	shalt  }
0x80: {  	_ =	shalt  }
0x81: {  	_ =	shalt  }
0x82: {  	_ =	shalt  }
0x83: {  	_ =	shalt  }
0x84: {  	_ =	shalt  }
0x85: {  	_ =	shalt  }
0x86: {  	_ =	shalt  }
0x87: {  	_ =	shalt  }
.Lfunc_end0:
.L_simem_size_0:
called_computation.1_lowered:
.L_overlay_start_0:
0x88: {  	s2 =	sld [smem:$0x3FD9]  }
0x89: {  	s3 =	sld [smem:$0x3FFE];
	_ =	sdelay $0x1  }
0x8a: {  	s1 =	srdreg.scid  }
0x8b: {  	s0 =	sand.u32 $0x1, s1  }
0x8c: {  	s16 =	sshll.u32 s0, $0xA;
	s2 =	sadd.s32 s3, s2  }
0x8d: {  	s2 =	sadd.s32 s2, s16  }
0x8e: {  	[smem:$0x3FBE] =	sst s2  }
0x8f: {  	_ = 	snop  }
0x90: {  	(tm) =	ssettm $0x1  }
0x91: {  	s17 =	sld [smem:$0x3FFB];
	_ =	sdelay $0x3  }
0x92: {  	_ =	strace s17  }
0x93: {  	s2 =	sld [smem:$0x3FFC];
	_ =	sdelay $0x3  }
0x94: {  	_ =	strace s2  }
0x95: {  	s2 =	sld [smem:$0x3FFD];
	_ =	sdelay $0x3  }
0x96: {  	_ =	strace s2  }
0x97: {  	_ =	strace $0x8FFFFFFF  }
0x98: {  	s18 =	sld [smem:$0x3FDB];
	_ =	sdelay $0x1  }
0x99: {  	s19 =	simm.s32 $_scs_section_size  }
0x9a: {  	s4 =	simm.s32 $_size__tile_overlayer_lowered;
	s5 =	simm.s32 $_tile_overlayer_lowered  }
0x9b: {  	s22 =	simm.s32 $0x1BFF;
	s21 =	sshll.u32 s5, $0x1;
	s2 =	sadd.s32 s19, s18  }
0x9c: {  	s6 =	simm.s32 $0x0;
	s20 =	sshll.u32 s4, $0x1;
	s4 =	sadd.s32 s21, s2  }
0x9d: {  	[timem:s6], [sflag:s22] =	dma.local [hbm:s4], s20  }
0x9e: {  	_ =	swait.ge [sflag:s22], s20  }
0x9f: {  	s3 =	ssub.s32 $0x0, s20;
	[sflag:s22] =	ssyncset.done $0x0  }
0xa0: {  	[sflag:s22] =	ssyncadd.s32 s3;
	_ =	sdelay $0x1  }
0xa1: {  	s23 =	simm.s32 $0x1B8B  }
0xa2: {  	_ =	swait.ge [sflag:s23], $0x1  }
0xa3: {  	[sflag:s23] =	ssyncset.done $0x0  }
0xa4: {  	s25 =	simm.s32 $0x1B8E;
	s24 =	sld [smem:$0x3FFE];
	[sflag:s23] =	ssyncadd.s32 $0xFFFFFFFF  }
0xa5: {  	s26 =	simm.s32 $execute0_lowered;
	[smem:$0x3FD2] =	sst s25  }
0xa6: {  	s4 =	sshll.u32 s26, $0x1;
	_ =	strace $0x80000049;
	[dreg:$0x1] =	wrdreg $0xFFFFFFFF  }
0xa7: {  	s28 =	simm.s32 $_size_execute0_lowered;
	s2 =	sadd.s32 s2, s4;
	[dreg:$0x0] =	wrdreg $0x0  }
0xa8: {  	s4 =	sshll.u32 s28, $0x1;
	[dreg:$0x2] =	wrdreg s2  }
0xa9: {  	[dreg:$0x3] =	wrdreg s4  }
0xaa: {  	[dreg:$0x4] =	wrdreg $0xC0  }
0xab: {  	_ =	task [dreg:s6], $0x5FFFF  }
0xac: {  	[dreg:$0x1] =	wrdreg $0xFFFFFFFF  }
0xad: {  	[dreg:$0x0] =	wrdreg $0x60  }
0xae: {  	[dreg:$0x2] =	wrdreg s24  }
0xaf: {  	[dreg:$0x3] =	wrdreg $0x7B000  }
0xb0: {  	[dreg:$0x4] =	wrdreg $0x9  }
0xb1: {  	_ =	task.clear_ibuf [dreg:s6], $0x5FFFF;
	_ =	strace $0x90000049  }
0xb2: {  	s29 =	simm.s32 $0x9;
	_ =	strace $0x8000004B  }
0xb3: {  	_ =	swait.ge [sflag:s29], $0x1  }
0xb4: {  	[sflag:s29] =	ssyncadd.s32 $0xFFFFFFFF  }
0xb5: {  	_ =	strace $0x9000004B  }
0xb6: {  	_ =	sfence  }
0xb7: {  	s30 =	sld [smem:$0x0];
	_ =	sdelay $0x2  }
0xb8: {  	s31 =	sshll.u32 s1, $0xD;
	s1 =	sshrl.u32 s1, $0x2  }
0xb9: {  	s3 =	sand.u32 $0x4000, s31;
	s1 =	sadd.s32 s1, s30  }
0xba: {  	s0 =	sor.u32 s3, s0;
	s1 =	sshll.u32 s1, $0x11  }
0xbb: {  	s0 =	sor.u32 s1, s0  }
0xbc: {  	s0 =	sadd.s32 $0x8F2B, s0  }
0xbd: {  	[sflag:s0] =	ssyncadd.remote.s32 $0x1  }
0xbe: {  	_ =	sfence.sel $0xFFFF  }
0xbf: {  	[dreg:$0x0] =	wrdreg $0xFFFFFFFF;
	(pc) =	sbr.abs _section_cstart, $3  }
0xc0: {  	[dreg:$0x1] =	wrdreg $0xFFFFFFFF  }
0xc1: {  	_ =	task.clear_ibuf [dreg:s6], $0x2FFFF;
	_ =	strace $0x9FFFFFFF  }
0xc2: {  	(tm) =	ssettm $0x7FFFFFFF  }
0xc3: {  	_ =	shalt  }
tec
execute0_lowered:
.L_overlay_start_1:
0x0: {  	(tag) =	ssettag $0x1  }
0x1: {  	s9 =	rddreg [dreg:$0x0]  }
0x2: {  	s1 =	rddreg [dreg:$0x1]  }
0x3: {  	s0 =	rddreg [dreg:$0x2]  }
0x4: {  	s2 =	simm.s32 $0x0;
	s5 =	srdreg.scid;
	s3 =	stileid.u32  }
0x5: {  	s15 =	simm.s32 $0x75000;
	s17 =	simm.s32 $0x6;
	s18 =	simm.s32 $0x280  }
0x6: {  	s19 =	simm.s32 $0x5300;
	s20 =	simm.s32 $0x5;
	s21 =	simm.s32 $0x180  }
0x7: {  	s22 =	simm.s32 $0x2B00;
	s23 =	simm.s32 $0x4;
	s24 =	simm.s32 $0x80  }
0x8: {  	[smem:$0x7FF] =	sst s2;
	s4 =	sadd.s32 $0x22200, s9;
	s10 =	smul.u32 $0x50000, s3  }
0x9: {  	s11 =	sadd.s32 $0x2E00, s9;
	s8 =	sand.u32 $0x1, s5;
	s14 =	smul.u32 $0x7D00, s3  }
0xa: {  	s5 =	sadd.s32 $0x4A200, s9;
	s26 =	sshll.u32 s3, $0x6;
	s16 =	smul.u32 $0x2800, s3  }
0xb: {  	_ =	strace $0x8000004A;
	s6 =	ssub.s32 $0x2, s8;
	s7 =	sshll.u32 s8, $0x4  }
0xc: {  	s28 =	smul.u32 $0x7D000, s8;
	p0 =	seq.s32 s8, $0x1;
	s12 =	sshrl.u32 s6, $0x1  }
0xd: {  	s7 =	sor.u32 s3, s7;
	s25 =	sshrl.u32 s10, $0x2;
	s15 =	simm.s32 @!p0 $0x4D000  }
0xe: {  	s12 =	ssub.s32 s6, s12;
	s7 =	smul.u32 $0x7D00, s7;
	s13 =	sadd.s32 s25, s1  }
0xf: {  	s6 =	sor.u32 $0x1C07, s26;
	s10 =	sadd.s32 s14, s28;
	s29 =	sadd.s32 s15, s9  }
.Ltmp0:
0x10: {  	s14 =	simm.s32 $0x50;
	s15 =	simm.s32 $0x300;
	(pc) =	sbr.rel .LBB2_1-.Ltmp0, $4  }
0x11: {  	s25 =	simm.s32 $0x0;
	s30 =	sadd.s32 $0x200, s10;
	s9 =	smax.u32 s12, $0x1  }
0x12: {  	s10 =	sadd.s32 s29, s16;
	s12 =	sshrl.u32 s13, $0x3;
	s7 =	sshrl.u32 s7, $0x3  }
0x13: {  	s13 =	simm.s32 $0x7;
	s31 =	sshrl.u32 s30, $0x3;
	s7 =	sadd.s32 s11, s7  }
0x14: {  	s16 =	simm.s32 $0x100;
	s11 =	sadd.s32 s31, s11;
	s8 =	sadd.s32 $0x20, s7  }
.LBB2_8:
0x15: {  	s25 =	sadd.s32 $0x1, s25  }
0x16: {  	p0 =	sne.s32 s25, s9  }
.Ltmp1:
0x17: {  	[bflag:$0x0] =	sbarrier.arrive $0xFFFF;
	(pc) =	sbr.rel @!p0 .LBB2_9-.Ltmp1, $4  }
0x18: {  	[hbm:s10], [sflag:s6] =	dma.local [spmem:s12], $0x2800  }
0x19: {  	_ =	swait.ge [sflag:s13], $0x2800  }
0x1a: {  	[sflag:s13] =	ssyncset.done $0x0  }
0x1b: {  	[sflag:s13] =	ssyncadd.s32 $0xFFFFD800  }
.LBB2_1:
0x1c: {  	[spmem:s12], [sflag:s6] =	dma.local [hbm:s5], $0x2800  }
0x1d: {  	_ =	swait.ge [sflag:s13], $0x2800  }
0x1e: {  	[sflag:s13] =	ssyncset.done $0x0  }
0x1f: {  	[sflag:s13] =	ssyncadd.s32 $0xFFFFD800  }
0x20: {  	[bflag:$0x0] =	sbarrier.arrive $0xFFFF  }
0x21: {  	[tilespmem:s2], [sflag:$0x7] =	stream.linear.gather [hbm4b:s7+s2], $0x100, $0x38;
	[tilespmem:$0x1BB00] =	vst v63  }
0x22: {  	_ =	swait.ge [sflag:s13], $0x100  }
.Ltmp2:
0x23: {  	[sflag:s13] =	ssyncset.done $0x0;
	(pc) =	sbr.rel .LBB2_2-.Ltmp2, $4  }
0x24: {  	[sflag:s13] =	ssyncadd.s32 $0xFFFFFF00  }
0x25: {  	[tilespmem:s15], [sflag:$0x4] =	stream.indirect.gather [hbm4b:s4+s14], $0x80, s2, s14, $0xb8;
	[tilespmem:$0x1BB00] =	vst v63  }
0x26: {  	s26 =	smov.u32 s11;
	s28 =	simm.s32 $0x0  }
0x27: {  	[tilespmem:s16], [sflag:$0x2] =	stream.linear.gather [hbm4b:s8+s2], $0x100, $0x38;
	[tilespmem:$0x1BB00] =	vst v63  }
.LBB2_6:
0x28: {  	p0 =	seq.s32 s28, $0x7C  }
0x29: {  	s29 =	simm.s32 @!p0 $0x1  }
0x2a: {  	_ =	swait.ge @!p0 [sflag:s29], $0x100  }
0x2b: {  	s30 =	simm.s32 @!p0 $0x0;
	[sflag:s29] =	ssyncset.done @!p0 $0x0  }
0x2c: {  	s31 =	simm.s32 @!p0 $0x300;
	[sflag:s29] =	ssyncadd.s32 @!p0 $0xFFFFFF00;
	s29 =	simm.s32 @!p0 $0x50  }
0x2d: {  	[tilespmem:s31], [sflag:$0x4] =	stream.indirect.gather @!p0 [hbm4b:s4+s29], $0x80, s30, s29, $0xb8;
	[tilespmem:$0x1BB00] =	vst v63  }
0x2e: {  	_ =	swait.ge [sflag:s17], $0x2800  }
0x2f: {  	[sflag:s17] =	ssyncset.done $0x0  }
0x30: {  	[sflag:s17] =	ssyncadd.s32 $0xFFFFD800  }
0x31: {  	[spmem:s1] =	stream.indirect.scatter.add.f32 [tilespmem:s19], [sflag:$0x7], $0x80, s18, s14, $0xb8;
	[tilespmem:$0x1BB00] =	vst v63  }
0x32: {  	_ =	swait.ge [sflag:s13], $0x2800  }
0x33: {  	p0 =	sgt.u32 s28, $0x7A;
	[sflag:s13] =	ssyncset.done $0x0  }
0x34: {  	s29 =	simm.s32 @!p0 $0x0;
	s30 =	simm.s32 @!p0 $0x100;
	[sflag:s13] =	ssyncadd.s32 $0xFFFFD800  }
0x35: {  	[tilespmem:s30], [sflag:$0x2] =	stream.linear.gather @!p0 [hbm4b:s26+s29], $0x100, $0x38;
	[tilespmem:$0x1BB00] =	vst v63  }
.LBB2_7:
0x36: {  	s28 =	sadd.s32 $0x1, s28  }
0x37: {  	p0 =	sne.s32 s28, $0x7D  }
.Ltmp3:
0x38: {  	_ = 	snop;
	(pc) =	sbr.rel @!p0 .LBB2_8-.Ltmp3, $2  }
0x39: {  	_ =	sdelay $0x2  }
0x3a: {  	s26 =	sadd.s32 $0x20, s26  }
.LBB2_2:
0x3b: {  	s29 =	smul.u32 $0xAB, s28;
	_ =	sdelay $0x1  }
0x3c: {  	s29 =	sshrl.u32 s29, $0x9  }
0x3d: {  	s29 =	sand.u32 $0x7F, s29  }
0x3e: {  	s29 =	smul.u32 $0x3, s29;
	_ =	sdelay $0x1  }
0x3f: {  	s29 =	ssub.s32 s28, s29  }
0x40: {  	s29 =	sand.u32 $0xFF, s29  }
0x41: {  	p0 =	seq.s32 s29, $0x2  }
.Ltmp4:
0x42: {  	_ = 	snop;
	(pc) =	sbr.rel @p0 .LBB2_6-.Ltmp4, $1  }
0x43: {  	_ =	sdelay $0x3  }
0x44: {  	p0 =	seq.s32 s29, $0x1  }
.Ltmp5:
0x45: {  	_ = 	snop;
	(pc) =	sbr.rel @!p0 .LBB2_4-.Ltmp5, $1  }
0x46: {  	_ =	sdelay $0x3  }
0x47: {  	p0 =	seq.s32 s28, $0x7C  }
0x48: {  	s29 =	simm.s32 @!p0 $0x3  }
0x49: {  	_ =	swait.ge @!p0 [sflag:s29], $0x100  }
0x4a: {  	s30 =	simm.s32 @!p0 $0x200;
	[sflag:s29] =	ssyncset.done @!p0 $0x0  }
0x4b: {  	s31 =	simm.s32 @!p0 $0x5300;
	[sflag:s29] =	ssyncadd.s32 @!p0 $0xFFFFFF00;
	s29 =	simm.s32 @!p0 $0x50  }
0x4c: {  	[tilespmem:s31], [sflag:$0x6] =	stream.indirect.gather @!p0 [hbm4b:s4+s29], $0x80, s30, s29, $0xb8;
	[tilespmem:$0x1BB00] =	vst v63  }
0x4d: {  	_ =	swait.ge [sflag:s20], $0x2800  }
0x4e: {  	[sflag:s20] =	ssyncset.done $0x0  }
0x4f: {  	[sflag:s20] =	ssyncadd.s32 $0xFFFFD800  }
0x50: {  	[spmem:s1] =	stream.indirect.scatter.add.f32 [tilespmem:s22], [sflag:$0x7], $0x80, s21, s14, $0xb8;
	[tilespmem:$0x1BB00] =	vst v63  }
.Ltmp6:
0x51: {  	_ = 	snop;
	(pc) =	sbr.rel .LBB2_7-.Ltmp6, $4  }
0x52: {  	_ =	swait.ge [sflag:s13], $0x2800  }
0x53: {  	p0 =	sgt.u32 s28, $0x7A;
	[sflag:s13] =	ssyncset.done $0x0  }
0x54: {  	s29 =	simm.s32 @!p0 $0x0;
	[sflag:s13] =	ssyncadd.s32 $0xFFFFD800  }
0x55: {  	[tilespmem:s29], [sflag:$0x1] =	stream.linear.gather @!p0 [hbm4b:s26+s29], $0x100, $0x38;
	[tilespmem:$0x1BB00] =	vst v63  }
.LBB2_4:
0x56: {  	p0 =	seq.s32 s28, $0x7C  }
0x57: {  	s29 =	simm.s32 @!p0 $0x2  }
0x58: {  	_ =	swait.ge @!p0 [sflag:s29], $0x100  }
0x59: {  	s30 =	simm.s32 @!p0 $0x100;
	[sflag:s29] =	ssyncset.done @!p0 $0x0  }
0x5a: {  	s31 =	simm.s32 @!p0 $0x2B00;
	[sflag:s29] =	ssyncadd.s32 @!p0 $0xFFFFFF00;
	s29 =	simm.s32 @!p0 $0x50  }
0x5b: {  	[tilespmem:s31], [sflag:$0x5] =	stream.indirect.gather @!p0 [hbm4b:s4+s29], $0x80, s30, s29, $0xb8;
	[tilespmem:$0x1BB00] =	vst v63  }
0x5c: {  	_ =	swait.ge [sflag:s23], $0x2800  }
0x5d: {  	[sflag:s23] =	ssyncset.done $0x0  }
0x5e: {  	[sflag:s23] =	ssyncadd.s32 $0xFFFFD800  }
0x5f: {  	[spmem:s1] =	stream.indirect.scatter.add.f32 [tilespmem:s15], [sflag:$0x7], $0x80, s24, s14, $0xb8;
	[tilespmem:$0x1BB00] =	vst v63  }
.Ltmp7:
0x60: {  	_ = 	snop;
	(pc) =	sbr.rel .LBB2_7-.Ltmp7, $4  }
0x61: {  	_ =	swait.ge [sflag:s13], $0x2800  }
0x62: {  	p0 =	sgt.u32 s28, $0x7A;
	[sflag:s13] =	ssyncset.done $0x0  }
0x63: {  	s29 =	simm.s32 @!p0 $0x0;
	s30 =	simm.s32 @!p0 $0x200;
	[sflag:s13] =	ssyncadd.s32 $0xFFFFD800  }
0x64: {  	[tilespmem:s30], [sflag:$0x3] =	stream.linear.gather @!p0 [hbm4b:s26+s29], $0x100, $0x38;
	[tilespmem:$0x1BB00] =	vst v63  }
.LBB2_9:
0x65: {  	_ =	sfence.sel $0x180000  }
0x66: {  	[bflag:$0x0] =	sbarrier.arrive $0xFFFF  }
0x67: {  	p0 =	sne.s32 s3, $0x0;
	_ =	strace $0x9000004A  }
0x68: {  	s0 =	sadd.s32 @!p0 $0x100000, s0;
	[bflag:$0x2] =	sbarrier.arrive $0xFFFF  }
0x69: {  	[sflag:s0] =	ssyncadd.tile.s32 @!p0 $0x1;
	_ =	shalt  }
.Lfunc_end2:
_tile_overlayer_lowered:
.L_overlay_start_2:
0x6a: {  	(tag) =	ssettag $0x2  }
0x6b: {  	s0 =	rddreg [dreg:$0x0];
	s2 =	stileid.u32  }
0x6c: {  	s1 =	rddreg [dreg:$0x1];
	p0 =	sne.s32 s2, $0x0  }
0x6d: {  	s3 =	rddreg [dreg:$0x2];
	[bflag:$0x3] =	sbarrier.arrive $0xFFFF;
	s2 =	simm.s32 @!p0 $0x1C07  }
0x6e: {  	[timem:s3], [sflag:s2] =	dma.local @!p0 [hbm:s0], s1  }
0x6f: {  	s0 =	simm.s32 @!p0 $0x7  }
0x70: {  	_ =	swait.ge @!p0 [sflag:s0], s1  }
0x71: {  	s1 =	ssub.s32 @!p0 $0x0, s1;
	[sflag:s0] =	ssyncset.done @!p0 $0x0  }
0x72: {  	[sflag:s0] =	ssyncadd.s32 @!p0 s1  }
0x73: {  	[bflag:$0x3] =	sbarrier.arrive $0xFFFF  }
0x74: {  	_ =	shalt  }

</sc_bundles>
